<compile_context>
chip_gen: v7x
topology: tpu7x:2x2x1
jax: 0.10.2.dev20260603
libtpu: 0.0.44.dev20260713+nightly
codegen_flags: <defaults>
</compile_context>

<pallas_src>
import functools

import jax
import jax.numpy as jnp
from jax import lax
from jax.experimental import pallas as pl
from jax.experimental.pallas import tpu as pltpu
from jax.experimental.pallas import tpu_sc as plsc

N_NODES = 10000
N_FEAT = 128
N_HID = 128
N_CLASS = 64

NC, NS = 2, 16
NPAD = 10240
ROWS_PER_SUB = NPAD // NS
NPAD_D = 51200
ROWS_PER_SUB_D = NPAD_D // NS
CHUNK = 128
N_CHUNKS_PER_SUB = 80
E_PER_SUB = CHUNK * N_CHUNKS_PER_SUB
E_PER_CORE = E_PER_SUB * NS
E_TOT = E_PER_CORE * NC
ROWS_PER_CORE = E_PER_CORE // CHUNK

_mesh = plsc.VectorSubcoreMesh(core_axis_name="c", subcore_axis_name="s")



@functools.partial(
    pl.kernel,
    out_type=jax.ShapeDtypeStruct((NC * NPAD_D,), jnp.float32),
    mesh=_mesh,
    scratch_types=[
        pltpu.VMEM((N_CHUNKS_PER_SUB, CHUNK), jnp.int32),
        pltpu.VMEM((CHUNK,), jnp.float32),
        pltpu.VMEM((ROWS_PER_SUB_D,), jnp.float32),
        pltpu.VMEM_SHARED((NPAD_D,), jnp.float32),
    ],
)
def s_deg(dst2d_hbm, out, dsts, ones_v, zbuf, acc):
    c = lax.axis_index("c")
    s = lax.axis_index("s")
    ones = jnp.ones((16,), jnp.float32)
    zeros = jnp.zeros((16,), jnp.float32)

    def fill1(i, carry):
        ones_v[pl.ds(i * 16, 16)] = ones
        return carry

    lax.fori_loop(0, CHUNK // 16, fill1, 0)

    def fill0(i, carry):
        zbuf[pl.ds(i * 16, 16)] = zeros
        return carry

    lax.fori_loop(0, ROWS_PER_SUB_D // 16, fill0, 0)
    pltpu.sync_copy(zbuf, acc.at[pl.ds(s * ROWS_PER_SUB_D, ROWS_PER_SUB_D)])
    row0 = c * ROWS_PER_CORE + s * N_CHUNKS_PER_SUB
    pltpu.sync_copy(dst2d_hbm.at[pl.ds(row0, N_CHUNKS_PER_SUB)], dsts)
    plsc.subcore_barrier()

    def body(i, carry):
        pltpu.sync_copy(ones_v, acc.at[dsts.at[i]], add=True)
        return carry

    lax.fori_loop(0, N_CHUNKS_PER_SUB, body, 0)
    plsc.subcore_barrier()
    rows = pl.ds(s * ROWS_PER_SUB_D, ROWS_PER_SUB_D)
    pltpu.sync_copy(
        acc.at[rows],
        out.at[pl.ds(c * NPAD_D + s * ROWS_PER_SUB_D, ROWS_PER_SUB_D)])


@functools.partial(
    pl.kernel,
    out_type=jax.ShapeDtypeStruct((NC, NPAD, N_HID), jnp.float32),
    mesh=_mesh,
    scratch_types=[
        pltpu.VMEM((CHUNK,), jnp.int32),
        pltpu.VMEM((CHUNK,), jnp.int32),
        pltpu.VMEM((N_CHUNKS_PER_SUB, CHUNK), jnp.int32),
        pltpu.VMEM((CHUNK, N_HID), jnp.float32),
        pltpu.VMEM((CHUNK, N_HID), jnp.float32),
        pltpu.VMEM_SHARED((NPAD, N_HID), jnp.float32),
        pltpu.SemaphoreType.DMA,
        pltpu.SemaphoreType.DMA,
    ],
)
def s_mp(h_hbm, src_hbm, dst2d_hbm, zeros_hbm, out,
         src0, src1, dsts, rows0, rows1, acc, sem0, sem1):
    c = lax.axis_index("c")
    s = lax.axis_index("s")
    w = c * NS + s
    pltpu.sync_copy(zeros_hbm, rows0)
    for r in range(ROWS_PER_SUB // CHUNK):
        pltpu.sync_copy(
            rows0, acc.at[pl.ds(s * ROWS_PER_SUB + r * CHUNK, CHUNK)])
    row0 = c * ROWS_PER_CORE + s * N_CHUNKS_PER_SUB
    pltpu.sync_copy(dst2d_hbm.at[pl.ds(row0, N_CHUNKS_PER_SUB)], dsts)
    plsc.subcore_barrier()
    ebase = w * E_PER_SUB

    def fetch(i, src_v, rows_v, sem):
        pltpu.sync_copy(src_hbm.at[pl.ds(ebase + i * CHUNK, CHUNK)], src_v)
        pltpu.async_copy(h_hbm.at[src_v], rows_v, sem)

    def drain_scatter(i, src_v, rows_v, sem):
        pltpu.make_async_copy(h_hbm.at[src_v], rows_v, sem).wait()
        pltpu.sync_copy(rows_v, acc.at[dsts.at[i]], add=True)

    fetch(0, src0, rows0, sem0)
    fetch(1, src1, rows1, sem1)

    def body(k, carry):
        drain_scatter(2 * k, src0, rows0, sem0)
        fetch(2 * k + 2, src0, rows0, sem0)
        drain_scatter(2 * k + 1, src1, rows1, sem1)
        fetch(2 * k + 3, src1, rows1, sem1)
        return carry

    lax.fori_loop(0, N_CHUNKS_PER_SUB // 2 - 1, body, 0)
    drain_scatter(N_CHUNKS_PER_SUB - 2, src0, rows0, sem0)
    drain_scatter(N_CHUNKS_PER_SUB - 1, src1, rows1, sem1)

    plsc.subcore_barrier()
    rows = pl.ds(s * ROWS_PER_SUB, ROWS_PER_SUB)
    pltpu.sync_copy(acc.at[rows], out.at[c, rows])



ROW_BLK = 400
N_BLKS = N_NODES // ROW_BLK
PART1_BLK_OFF = NPAD_D // ROW_BLK


def _dinv(d0, d1):
    return lax.rsqrt(d0[:, :1] + d1[:, :1] + 1.0)


def _p1_body(x_ref, w_ref, d0_ref, d1_ref, o_ref):
    dinv = _dinv(d0_ref[...], d1_ref[...])
    o_ref[...] = jnp.dot(x_ref[...], w_ref[...],
                         preferred_element_type=jnp.float32) * dinv


def p1(x, w1, deg):
    return pl.pallas_call(
        _p1_body,
        grid=(N_BLKS,),
        in_specs=[
            pl.BlockSpec((ROW_BLK, N_FEAT), lambda i: (i, 0)),
            pl.BlockSpec((N_FEAT, N_HID), lambda i: (0, 0)),
            pl.BlockSpec((ROW_BLK, 1), lambda i: (i, 0)),
            pl.BlockSpec((ROW_BLK, 1), lambda i: (i + PART1_BLK_OFF, 0)),
        ],
        out_specs=pl.BlockSpec((ROW_BLK, N_HID), lambda i: (i, 0)),
        out_shape=jax.ShapeDtypeStruct((N_NODES, N_HID), jnp.float32),
    )(x, w1, deg, deg)


def _p2_body(m_ref0, m_ref1, hs_ref, d0_ref, d1_ref, b_ref, w_ref, o_ref):
    dinv = _dinv(d0_ref[...], d1_ref[...])
    agg = (m_ref0[0] + m_ref1[0] + hs_ref[...]) * dinv
    h = jnp.maximum(agg + b_ref[...], 0.0)
    o_ref[...] = jnp.dot(h, w_ref[...],
                         preferred_element_type=jnp.float32) * dinv


def p2(parts, hs, deg, b1, w2):
    return pl.pallas_call(
        _p2_body,
        grid=(N_BLKS,),
        in_specs=[
            pl.BlockSpec((1, ROW_BLK, N_HID), lambda i: (0, i, 0)),
            pl.BlockSpec((1, ROW_BLK, N_HID), lambda i: (1, i, 0)),
            pl.BlockSpec((ROW_BLK, N_HID), lambda i: (i, 0)),
            pl.BlockSpec((ROW_BLK, 1), lambda i: (i, 0)),
            pl.BlockSpec((ROW_BLK, 1), lambda i: (i + PART1_BLK_OFF, 0)),
            pl.BlockSpec((1, N_HID), lambda i: (0, 0)),
            pl.BlockSpec((N_HID, N_HID), lambda i: (0, 0)),
        ],
        out_specs=pl.BlockSpec((ROW_BLK, N_HID), lambda i: (i, 0)),
        out_shape=jax.ShapeDtypeStruct((N_NODES, N_HID), jnp.float32),
    )(parts, parts, hs, deg, deg, b1, w2)


def _p3_body(m_ref0, m_ref1, hs_ref, d0_ref, d1_ref, b_ref, w_ref, b3_ref,
             o_ref):
    dinv = _dinv(d0_ref[...], d1_ref[...])
    agg = (m_ref0[0] + m_ref1[0] + hs_ref[...]) * dinv
    h = jnp.maximum(agg + b_ref[...], 0.0)
    o_ref[...] = jnp.dot(h, w_ref[...],
                         preferred_element_type=jnp.float32) + b3_ref[...]


def p3(parts, hs, deg, b2, w3, b3):
    return pl.pallas_call(
        _p3_body,
        grid=(N_BLKS,),
        in_specs=[
            pl.BlockSpec((1, ROW_BLK, N_HID), lambda i: (0, i, 0)),
            pl.BlockSpec((1, ROW_BLK, N_HID), lambda i: (1, i, 0)),
            pl.BlockSpec((ROW_BLK, N_HID), lambda i: (i, 0)),
            pl.BlockSpec((ROW_BLK, 1), lambda i: (i, 0)),
            pl.BlockSpec((ROW_BLK, 1), lambda i: (i + PART1_BLK_OFF, 0)),
            pl.BlockSpec((1, N_HID), lambda i: (0, 0)),
            pl.BlockSpec((N_HID, N_CLASS), lambda i: (0, 0)),
            pl.BlockSpec((1, N_CLASS), lambda i: (0, 0)),
        ],
        out_specs=pl.BlockSpec((ROW_BLK, N_CLASS), lambda i: (i, 0)),
        out_shape=jax.ShapeDtypeStruct((N_NODES, N_CLASS), jnp.float32),
    )(parts, parts, hs, deg, deg, b2, w3, b3)



def kernel(x, edge_index, W1, b1, W2, b2, W3, b3):
    ei = edge_index.astype(jnp.int32)
    pad_n = E_TOT - ei.shape[1]
    pad_i = jnp.arange(pad_n, dtype=jnp.int32)
    src = jnp.concatenate([ei[0], pad_i % N_NODES])
    dst = jnp.concatenate([ei[1], N_NODES + pad_i % (NPAD - N_NODES)])
    dst2d = dst.reshape(-1, CHUNK)

    zerosH = jnp.zeros((CHUNK, N_HID), jnp.float32)
    deg = s_deg(dst2d).reshape(NC * NPAD_D, 1)
    hs0 = p1(x, W1, deg)
    m = s_mp(hs0, src, dst2d, zerosH)
    hs1 = p2(m, hs0, deg, b1.reshape(1, N_HID), W2)
    n = s_mp(hs1, src, dst2d, zerosH)
    out = p3(n, hs1, deg, b2.reshape(1, N_HID), W3, b3.reshape(1, N_CLASS))
    return out

# --- scband reference (transcript-rebuilt; emitter-appended) ---
"""Pipeline reference for scband-gcn-4612794876643 (READ-ONLY COPY).

The authoritative reference and input builder live on the scoring server;
editing this copy changes nothing except your own understanding.
"""

import jax, jax.numpy as jnp
import numpy as np

N_NODES = 10000
N_EDGES = 320000
N_FEAT = 128
N_HID = 128
N_CLASS = 64


def gcn_conv(x, edge_index, W, b):
    # PyG GCNConv: x' = D^-1/2 (A+I) D^-1/2 (x W) + b
    num_nodes = x.shape[0]
    h = x @ W
    src = edge_index[0]
    dst = edge_index[1]
    loop = jnp.arange(num_nodes, dtype=edge_index.dtype)
    src = jnp.concatenate([src, loop])
    dst = jnp.concatenate([dst, loop])
    deg = jnp.zeros((num_nodes,), dtype=h.dtype).at[dst].add(1.0)
    deg_inv_sqrt = jnp.where(deg > 0, deg ** -0.5, 0.0)
    norm = deg_inv_sqrt[src] * deg_inv_sqrt[dst]
    msg = h[src] * norm[:, None]
    out = jnp.zeros_like(h).at[dst].add(msg)
    return out + b


def setup_inputs(seed: int = 0) -> dict:
    key = jax.random.key(seed)
    ks = jax.random.split(key, 8)
    x = jax.random.normal(ks[0], (N_NODES, N_FEAT), dtype=jnp.float32)
    edge_index = jax.random.randint(ks[1], (2, N_EDGES), 0, N_NODES, dtype=jnp.int64)
    s1 = 1.0 / np.sqrt(N_FEAT)
    s2 = 1.0 / np.sqrt(N_HID)
    W1 = jax.random.uniform(ks[2], (N_FEAT, N_HID), dtype=jnp.float32, minval=-s1, maxval=s1)
    b1 = jnp.zeros((N_HID,), dtype=jnp.float32)
    W2 = jax.random.uniform(ks[3], (N_HID, N_HID), dtype=jnp.float32, minval=-s2, maxval=s2)
    b2 = jnp.zeros((N_HID,), dtype=jnp.float32)
    W3 = jax.random.uniform(ks[4], (N_HID, N_CLASS), dtype=jnp.float32, minval=-s2, maxval=s2)
    b3 = jax.random.uniform(ks[5], (N_CLASS,), dtype=jnp.float32, minval=-s2, maxval=s2)
    return {"x": x, "edge_index": edge_index, "W1": W1, "b1": b1, "W2": W2, "b2": b2, "W3": W3, "b3": b3}


def reference(x, edge_index, W1, b1, W2, b2, W3, b3):
    h = gcn_conv(x, edge_index, W1, b1)
    h = jax.nn.relu(h)
    # dropout is identity in eval mode
    h = gcn_conv(h, edge_index, W2, b2)
    h = jax.nn.relu(h)
    out = h @ W3 + b3
    return out

if __name__ == "__main__":
    import jax
    _d = setup_inputs()
    print(jax.jit(kernel)(*tuple(_d.values())))

</pallas_src>

<mosaic_0001>
#map = affine_map<(d0, d1) -> (0, 0)>
#map1 = affine_map<(d0, d1) -> (0)>
module attributes {stable_mosaic.version = 14 : i64} {
  func.func @s_deg(%arg0: i32, %arg1: i32, %arg2: memref<2560x128xi32, #tpu.memory_space<hbm>>, %arg3: memref<102400xf32, #tpu.memory_space<hbm>>, %arg4: memref<80x128xi32, #tpu.memory_space<vmem>>, %arg5: memref<128xf32, #tpu.memory_space<vmem>>, %arg6: memref<3200xf32, #tpu.memory_space<vmem>>, %arg7: memref<51200xf32, #tpu.memory_space<vmem_shared>>) attributes {dimension_semantics = [#tpu.dimension_semantics<core_parallel>, #tpu.dimension_semantics<subcore_parallel>], iteration_bounds = array<i64: 2, 16>, scalar_prefetch = 0 : i64, scratch_operands = 4 : i64, tpu.core_type = #tpu.core_type<sc_vector_subcore>, window_params = [{transform_indices = #map}, {transform_indices = #map1}]} {
    %broadcast_in_dim3A = arith.constant 1.000000e+00 : f32
    %broadcast_in_dim3A_0 = vector.broadcast %broadcast_in_dim3A : f32 to vector<16xf32>
    %broadcast_in_dim3A_1 = arith.constant 0.000000e+00 : f32
    %broadcast_in_dim3A_2 = vector.broadcast %broadcast_in_dim3A_1 : f32 to vector<16xf32>
    %scan3A = arith.constant 0 : i32
    %scan3A_3 = arith.constant 0 : i32
    %scan3A_4 = arith.constant 8 : i32
    %scan3A_5 = arith.addi %scan3A_3, %scan3A_4 : i32
    %scan3A_6 = arith.constant 1 : i32
    scf.for %scan3A_33 = %scan3A_3 to %scan3A_5 step %scan3A_6  : i32 {
      %mul3A_34 = arith.constant 16 : i32
      %mul3A_35 = arith.muli %scan3A_33, %mul3A_34 : i32
      %swap3A = arith.index_cast %mul3A_35 : i32 to index
      %swap3A_36 = tpu.vector_load %arg5[%swap3A] {strides = array<i32>} : memref<128xf32, #tpu.memory_space<vmem>>, vector<16xf32>,
      %swap3A_37 = vector.shape_cast %swap3A_36 : vector<16xf32> to vector<16xf32>
      %swap3A_38 = vector.shape_cast %broadcast_in_dim3A_0 : vector<16xf32> to vector<16xf32>
      tpu.vector_store %arg5[%swap3A], %swap3A_38 {strides = array<i32>} : memref<128xf32, #tpu.memory_space<vmem>>, vector<16xf32>,
    }
    %scan3A_7 = arith.constant 8 : i32
    %scan3A_8 = arith.constant 0 : i32
    %scan3A_9 = arith.constant 0 : i32
    %scan3A_10 = arith.constant 200 : i32
    %scan3A_11 = arith.addi %scan3A_9, %scan3A_10 : i32
    %scan3A_12 = arith.constant 1 : i32
    scf.for %scan3A_33 = %scan3A_9 to %scan3A_11 step %scan3A_12  : i32 {
      %mul3A_34 = arith.constant 16 : i32
      %mul3A_35 = arith.muli %scan3A_33, %mul3A_34 : i32
      %swap3A = arith.index_cast %mul3A_35 : i32 to index
      %swap3A_36 = tpu.vector_load %arg6[%swap3A] {strides = array<i32>} : memref<3200xf32, #tpu.memory_space<vmem>>, vector<16xf32>,
      %swap3A_37 = vector.shape_cast %swap3A_36 : vector<16xf32> to vector<16xf32>
      %swap3A_38 = vector.shape_cast %broadcast_in_dim3A_2 : vector<16xf32> to vector<16xf32>
      tpu.vector_store %arg6[%swap3A], %swap3A_38 {strides = array<i32>} : memref<3200xf32, #tpu.memory_space<vmem>>, vector<16xf32>,
    }
    %scan3A_13 = arith.constant 200 : i32
    %mul3A = arith.constant 3200 : i32
    %mul3A_14 = arith.muli %arg1, %mul3A : i32
    "tpu.region"() ({
      %run_scoped3A = tpu.sem_alloc : memref<!tpu.dma_semaphore, #tpu.memory_space<semaphore_mem>>
      %dma_start3A = tpu.memref_slice %arg7[%mul3A_14] : memref<51200xf32, #tpu.memory_space<vmem_shared>> -> memref<3200xf32, #tpu.memory_space<vmem_shared>>
      %dma_start3A_33 = tpu.memref_slice %arg7[%mul3A_14] : memref<51200xf32, #tpu.memory_space<vmem_shared>> -> memref<3200xf32, #tpu.memory_space<vmem_shared>>
      tpu.enqueue_dma source(%arg6 : memref<3200xf32, #tpu.memory_space<vmem>>) target(%dma_start3A_33 : memref<3200xf32, #tpu.memory_space<vmem_shared>>) target_semaphore(%run_scoped3A : memref<!tpu.dma_semaphore, #tpu.memory_space<semaphore_mem>>)
      %dma_wait3A = tpu.memref_slice %arg7[%mul3A_14] : memref<51200xf32, #tpu.memory_space<vmem_shared>> -> memref<3200xf32, #tpu.memory_space<vmem_shared>>
      %dma_wait3A_34 = tpu.memref_slice %arg7[%mul3A_14] : memref<51200xf32, #tpu.memory_space<vmem_shared>> -> memref<3200xf32, #tpu.memory_space<vmem_shared>>
      tpu.wait_dma2 semaphore(%run_scoped3A : memref<!tpu.dma_semaphore, #tpu.memory_space<semaphore_mem>>) src(%arg6 : memref<3200xf32, #tpu.memory_space<vmem>>) dst(%dma_wait3A_34 : memref<3200xf32, #tpu.memory_space<vmem_shared>>)
      tpu.yield
    }) : () -> ()
    %mul3A_15 = arith.constant 1280 : i32
    %mul3A_16 = arith.muli %arg0, %mul3A_15 : i32
    %mul3A_17 = arith.constant 80 : i32
    %mul3A_18 = arith.muli %arg1, %mul3A_17 : i32
    %add3A = arith.addi %mul3A_16, %mul3A_18 : i32
    "tpu.region"() ({
      %run_scoped3A = tpu.sem_alloc : memref<!tpu.dma_semaphore, #tpu.memory_space<semaphore_mem>>
      %dma_start3A = arith.constant 0 : i32
      %dma_start3A_33 = tpu.memref_slice %arg2[%add3A, %dma_start3A] : memref<2560x128xi32, #tpu.memory_space<hbm>> -> memref<80x128xi32, #tpu.memory_space<hbm>>
      %dma_start3A_34 = arith.constant 0 : i32
      %dma_start3A_35 = tpu.memref_slice %arg2[%add3A, %dma_start3A_34] : memref<2560x128xi32, #tpu.memory_space<hbm>> -> memref<80x128xi32, #tpu.memory_space<hbm>>
      tpu.enqueue_dma source(%dma_start3A_35 : memref<80x128xi32, #tpu.memory_space<hbm>>) target(%arg4 : memref<80x128xi32, #tpu.memory_space<vmem>>) target_semaphore(%run_scoped3A : memref<!tpu.dma_semaphore, #tpu.memory_space<semaphore_mem>>)
      %dma_wait3A = arith.constant 0 : i32
      %dma_wait3A_36 = tpu.memref_slice %arg2[%add3A, %dma_wait3A] : memref<2560x128xi32, #tpu.memory_space<hbm>> -> memref<80x128xi32, #tpu.memory_space<hbm>>
      %dma_wait3A_37 = arith.constant 0 : i32
      %dma_wait3A_38 = tpu.memref_slice %arg2[%add3A, %dma_wait3A_37] : memref<2560x128xi32, #tpu.memory_space<hbm>> -> memref<80x128xi32, #tpu.memory_space<hbm>>
      tpu.wait_dma2 semaphore(%run_scoped3A : memref<!tpu.dma_semaphore, #tpu.memory_space<semaphore_mem>>) src(%dma_wait3A_38 : memref<80x128xi32, #tpu.memory_space<hbm>>) dst(%arg4 : memref<80x128xi32, #tpu.memory_space<vmem>>)
      tpu.yield
    }) : () -> ()
    %barrier3A = arith.constant 0 : index
    tpu.barrier barrier_id(%barrier3A)
    %scan3A_19 = arith.constant 0 : i32
    %scan3A_20 = arith.constant 0 : i32
    %scan3A_21 = arith.constant 80 : i32
    %scan3A_22 = arith.addi %scan3A_20, %scan3A_21 : i32
    %scan3A_23 = arith.constant 1 : i32
    scf.for %scan3A_33 = %scan3A_20 to %scan3A_22 step %scan3A_23  : i32 {
      "tpu.region"() ({
        %run_scoped3A = tpu.sem_alloc : memref<!tpu.dma_semaphore, #tpu.memory_space<semaphore_mem>>
        %dma_start3A = arith.constant 0 : i32
        %dma_start3A_34 = tpu.memref_slice %arg4[%scan3A_33, %dma_start3A] : memref<80x128xi32, #tpu.memory_space<vmem>> -> memref<1x128xi32, #tpu.memory_space<vmem>>
        %dma_start3A_35 = tpu.memref_squeeze %dma_start3A_34 : memref<1x128xi32, #tpu.memory_space<vmem>> -> memref<128xi32, #tpu.memory_space<vmem>>
        %dma_start3A_36 = arith.constant 0 : i32
        %dma_start3A_37 = tpu.memref_slice %arg7[%dma_start3A_36] : memref<51200xf32, #tpu.memory_space<vmem_shared>> -> memref<51200xf32, #tpu.memory_space<vmem_shared>>
        tpu.enqueue_indirect_dma source(%arg5 : memref<128xf32, #tpu.memory_space<vmem>>) target(%dma_start3A_37 : memref<51200xf32, #tpu.memory_space<vmem_shared>>) offsets(%dma_start3A_35 : memref<128xi32, #tpu.memory_space<vmem>>) semaphore(%run_scoped3A : memref<!tpu.dma_semaphore, #tpu.memory_space<semaphore_mem>>) {add = true}
        %dma_wait3A = arith.constant 0 : i32
        %dma_wait3A_38 = tpu.memref_slice %arg4[%scan3A_33, %dma_wait3A] : memref<80x128xi32, #tpu.memory_space<vmem>> -> memref<1x128xi32, #tpu.memory_space<vmem>>
        %dma_wait3A_39 = tpu.memref_squeeze %dma_wait3A_38 : memref<1x128xi32, #tpu.memory_space<vmem>> -> memref<128xi32, #tpu.memory_space<vmem>>
        %dma_wait3A_40 = arith.constant 0 : i32
        %dma_wait3A_41 = tpu.memref_slice %arg7[%dma_wait3A_40] : memref<51200xf32, #tpu.memory_space<vmem_shared>> -> memref<51200xf32, #tpu.memory_space<vmem_shared>>
        tpu.wait_indirect_dma semaphore(%run_scoped3A : memref<!tpu.dma_semaphore, #tpu.memory_space<semaphore_mem>>) src(%arg5 : memref<128xf32, #tpu.memory_space<vmem>>) dst(%dma_wait3A_41 : memref<51200xf32, #tpu.memory_space<vmem_shared>>)
        tpu.yield
      }) : () -> ()
    }
    %scan3A_24 = arith.constant 80 : i32
    %barrier3A_25 = arith.constant 0 : index
    tpu.barrier barrier_id(%barrier3A_25)
    %mul3A_26 = arith.constant 3200 : i32
    %mul3A_27 = arith.muli %arg1, %mul3A_26 : i32
    %mul3A_28 = arith.constant 51200 : i32
    %mul3A_29 = arith.muli %arg0, %mul3A_28 : i32
    %mul3A_30 = arith.constant 3200 : i32
    %mul3A_31 = arith.muli %arg1, %mul3A_30 : i32
    %add3A_32 = arith.addi %mul3A_29, %mul3A_31 : i32
    "tpu.region"() ({
      %run_scoped3A = tpu.sem_alloc : memref<!tpu.dma_semaphore, #tpu.memory_space<semaphore_mem>>
      %dma_start3A = tpu.memref_slice %arg3[%add3A_32] : memref<102400xf32, #tpu.memory_space<hbm>> -> memref<3200xf32, #tpu.memory_space<hbm>>
      %dma_start3A_33 = tpu.memref_slice %arg7[%mul3A_27] : memref<51200xf32, #tpu.memory_space<vmem_shared>> -> memref<3200xf32, #tpu.memory_space<vmem_shared>>
      tpu.enqueue_dma source(%dma_start3A_33 : memref<3200xf32, #tpu.memory_space<vmem_shared>>) target(%dma_start3A : memref<3200xf32, #tpu.memory_space<hbm>>) target_semaphore(%run_scoped3A : memref<!tpu.dma_semaphore, #tpu.memory_space<semaphore_mem>>)
      %dma_wait3A = tpu.memref_slice %arg3[%add3A_32] : memref<102400xf32, #tpu.memory_space<hbm>> -> memref<3200xf32, #tpu.memory_space<hbm>>
      %dma_wait3A_34 = tpu.memref_slice %arg7[%mul3A_27] : memref<51200xf32, #tpu.memory_space<vmem_shared>> -> memref<3200xf32, #tpu.memory_space<vmem_shared>>
      tpu.wait_dma2 semaphore(%run_scoped3A : memref<!tpu.dma_semaphore, #tpu.memory_space<semaphore_mem>>) src(%dma_wait3A_34 : memref<3200xf32, #tpu.memory_space<vmem_shared>>) dst(%dma_wait3A : memref<3200xf32, #tpu.memory_space<hbm>>)
      tpu.yield
    }) : () -> ()
    return
  }
}

#map = affine_map<(d0, d1) -> (0, 0)>
#map1 = affine_map<(d0, d1) -> (0)>
#map2 = affine_map<(d0, d1) -> (0, 0, 0)>
module attributes {stable_mosaic.version = 14 : i64} {
  func.func @s_mp(%arg0: i32, %arg1: i32, %arg2: memref<10000x128xf32, #tpu.memory_space<hbm>>, %arg3: memref<327680xi32, #tpu.memory_space<hbm>>, %arg4: memref<2560x128xi32, #tpu.memory_space<hbm>>, %arg5: memref<128x128xf32, #tpu.memory_space<hbm>>, %arg6: memref<2x10240x128xf32, #tpu.memory_space<hbm>>, %arg7: memref<128xi32, #tpu.memory_space<vmem>>, %arg8: memref<128xi32, #tpu.memory_space<vmem>>, %arg9: memref<80x128xi32, #tpu.memory_space<vmem>>, %arg10: memref<128x128xf32, #tpu.memory_space<vmem>>, %arg11: memref<128x128xf32, #tpu.memory_space<vmem>>, %arg12: memref<10240x128xf32, #tpu.memory_space<vmem_shared>>, %arg13: memref<!tpu.dma_semaphore, #tpu.memory_space<semaphore_mem>>, %arg14: memref<!tpu.dma_semaphore, #tpu.memory_space<semaphore_mem>>) attributes {dimension_semantics = [#tpu.dimension_semantics<core_parallel>, #tpu.dimension_semantics<subcore_parallel>], iteration_bounds = array<i64: 2, 16>, scalar_prefetch = 0 : i64, scratch_operands = 8 : i64, tpu.core_type = #tpu.core_type<sc_vector_subcore>, window_params = [{transform_indices = #map}, {transform_indices = #map1}, {transform_indices = #map}, {transform_indices = #map}, {transform_indices = #map2}]} {
    %mul3A = arith.constant 16 : i32
    %mul3A_0 = arith.muli %arg0, %mul3A : i32
    %add3A = arith.addi %mul3A_0, %arg1 : i32
    "tpu.region"() ({
      %run_scoped3A_51 = tpu.sem_alloc : memref<!tpu.dma_semaphore, #tpu.memory_space<semaphore_mem>>
      tpu.enqueue_dma source(%arg5 : memref<128x128xf32, #tpu.memory_space<hbm>>) target(%arg10 : memref<128x128xf32, #tpu.memory_space<vmem>>) target_semaphore(%run_scoped3A_51 : memref<!tpu.dma_semaphore, #tpu.memory_space<semaphore_mem>>)
      tpu.wait_dma2 semaphore(%run_scoped3A_51 : memref<!tpu.dma_semaphore, #tpu.memory_space<semaphore_mem>>) src(%arg5 : memref<128x128xf32, #tpu.memory_space<hbm>>) dst(%arg10 : memref<128x128xf32, #tpu.memory_space<vmem>>)
      tpu.yield
    }) : () -> ()
    %mul3A_1 = arith.constant 640 : i32
    %mul3A_2 = arith.muli %arg1, %mul3A_1 : i32
    %add3A_3 = arith.constant 0 : i32
    %add3A_4 = arith.addi %mul3A_2, %add3A_3 : i32
    "tpu.region"() ({
      %run_scoped3A_51 = tpu.sem_alloc : memref<!tpu.dma_semaphore, #tpu.memory_space<semaphore_mem>>
      %dma_start3A_52 = arith.constant 0 : i32
      %dma_start3A_53 = tpu.memref_slice %arg12[%add3A_4, %dma_start3A_52] : memref<10240x128xf32, #tpu.memory_space<vmem_shared>> -> memref<128x128xf32, #tpu.memory_space<vmem_shared>>
      %dma_start3A_54 = arith.constant 0 : i32
      %dma_start3A_55 = tpu.memref_slice %arg12[%add3A_4, %dma_start3A_54] : memref<10240x128xf32, #tpu.memory_space<vmem_shared>> -> memref<128x128xf32, #tpu.memory_space<vmem_shared>>
      tpu.enqueue_dma source(%arg10 : memref<128x128xf32, #tpu.memory_space<vmem>>) target(%dma_start3A_55 : memref<128x128xf32, #tpu.memory_space<vmem_shared>>) target_semaphore(%run_scoped3A_51 : memref<!tpu.dma_semaphore, #tpu.memory_space<semaphore_mem>>)
      %dma_wait3A_56 = arith.constant 0 : i32
      %dma_wait3A_57 = tpu.memref_slice %arg12[%add3A_4, %dma_wait3A_56] : memref<10240x128xf32, #tpu.memory_space<vmem_shared>> -> memref<128x128xf32, #tpu.memory_space<vmem_shared>>
      %dma_wait3A_58 = arith.constant 0 : i32
      %dma_wait3A_59 = tpu.memref_slice %arg12[%add3A_4, %dma_wait3A_58] : memref<10240x128xf32, #tpu.memory_space<vmem_shared>> -> memref<128x128xf32, #tpu.memory_space<vmem_shared>>
      tpu.wait_dma2 semaphore(%run_scoped3A_51 : memref<!tpu.dma_semaphore, #tpu.memory_space<semaphore_mem>>) src(%arg10 : memref<128x128xf32, #tpu.memory_space<vmem>>) dst(%dma_wait3A_59 : memref<128x128xf32, #tpu.memory_space<vmem_shared>>)
      tpu.yield
    }) : () -> ()
    %mul3A_5 = arith.constant 640 : i32
    %mul3A_6 = arith.muli %arg1, %mul3A_5 : i32
    %add3A_7 = arith.constant 128 : i32
    %add3A_8 = arith.addi %mul3A_6, %add3A_7 : i32
    "tpu.region"() ({
      %run_scoped3A_51 = tpu.sem_alloc : memref<!tpu.dma_semaphore, #tpu.memory_space<semaphore_mem>>
      %dma_start3A_52 = arith.constant 0 : i32
      %dma_start3A_53 = tpu.memref_slice %arg12[%add3A_8, %dma_start3A_52] : memref<10240x128xf32, #tpu.memory_space<vmem_shared>> -> memref<128x128xf32, #tpu.memory_space<vmem_shared>>
      %dma_start3A_54 = arith.constant 0 : i32
      %dma_start3A_55 = tpu.memref_slice %arg12[%add3A_8, %dma_start3A_54] : memref<10240x128xf32, #tpu.memory_space<vmem_shared>> -> memref<128x128xf32, #tpu.memory_space<vmem_shared>>
      tpu.enqueue_dma source(%arg10 : memref<128x128xf32, #tpu.memory_space<vmem>>) target(%dma_start3A_55 : memref<128x128xf32, #tpu.memory_space<vmem_shared>>) target_semaphore(%run_scoped3A_51 : memref<!tpu.dma_semaphore, #tpu.memory_space<semaphore_mem>>)
      %dma_wait3A_56 = arith.constant 0 : i32
      %dma_wait3A_57 = tpu.memref_slice %arg12[%add3A_8, %dma_wait3A_56] : memref<10240x128xf32, #tpu.memory_space<vmem_shared>> -> memref<128x128xf32, #tpu.memory_space<vmem_shared>>
      %dma_wait3A_58 = arith.constant 0 : i32
      %dma_wait3A_59 = tpu.memref_slice %arg12[%add3A_8, %dma_wait3A_58] : memref<10240x128xf32, #tpu.memory_space<vmem_shared>> -> memref<128x128xf32, #tpu.memory_space<vmem_shared>>
      tpu.wait_dma2 semaphore(%run_scoped3A_51 : memref<!tpu.dma_semaphore, #tpu.memory_space<semaphore_mem>>) src(%arg10 : memref<128x128xf32, #tpu.memory_space<vmem>>) dst(%dma_wait3A_59 : memref<128x128xf32, #tpu.memory_space<vmem_shared>>)
      tpu.yield
    }) : () -> ()
    %mul3A_9 = arith.constant 640 : i32
    %mul3A_10 = arith.muli %arg1, %mul3A_9 : i32
    %add3A_11 = arith.constant 256 : i32
    %add3A_12 = arith.addi %mul3A_10, %add3A_11 : i32
    "tpu.region"() ({
      %run_scoped3A_51 = tpu.sem_alloc : memref<!tpu.dma_semaphore, #tpu.memory_space<semaphore_mem>>
      %dma_start3A_52 = arith.constant 0 : i32
      %dma_start3A_53 = tpu.memref_slice %arg12[%add3A_12, %dma_start3A_52] : memref<10240x128xf32, #tpu.memory_space<vmem_shared>> -> memref<128x128xf32, #tpu.memory_space<vmem_shared>>
      %dma_start3A_54 = arith.constant 0 : i32
      %dma_start3A_55 = tpu.memref_slice %arg12[%add3A_12, %dma_start3A_54] : memref<10240x128xf32, #tpu.memory_space<vmem_shared>> -> memref<128x128xf32, #tpu.memory_space<vmem_shared>>
      tpu.enqueue_dma source(%arg10 : memref<128x128xf32, #tpu.memory_space<vmem>>) target(%dma_start3A_55 : memref<128x128xf32, #tpu.memory_space<vmem_shared>>) target_semaphore(%run_scoped3A_51 : memref<!tpu.dma_semaphore, #tpu.memory_space<semaphore_mem>>)
      %dma_wait3A_56 = arith.constant 0 : i32
      %dma_wait3A_57 = tpu.memref_slice %arg12[%add3A_12, %dma_wait3A_56] : memref<10240x128xf32, #tpu.memory_space<vmem_shared>> -> memref<128x128xf32, #tpu.memory_space<vmem_shared>>
      %dma_wait3A_58 = arith.constant 0 : i32
      %dma_wait3A_59 = tpu.memref_slice %arg12[%add3A_12, %dma_wait3A_58] : memref<10240x128xf32, #tpu.memory_space<vmem_shared>> -> memref<128x128xf32, #tpu.memory_space<vmem_shared>>
      tpu.wait_dma2 semaphore(%run_scoped3A_51 : memref<!tpu.dma_semaphore, #tpu.memory_space<semaphore_mem>>) src(%arg10 : memref<128x128xf32, #tpu.memory_space<vmem>>) dst(%dma_wait3A_59 : memref<128x128xf32, #tpu.memory_space<vmem_shared>>)
      tpu.yield
    }) : () -> ()
    %mul3A_13 = arith.constant 640 : i32
    %mul3A_14 = arith.muli %arg1, %mul3A_13 : i32
    %add3A_15 = arith.constant 384 : i32
    %add3A_16 = arith.addi %mul3A_14, %add3A_15 : i32
    "tpu.region"() ({
      %run_scoped3A_51 = tpu.sem_alloc : memref<!tpu.dma_semaphore, #tpu.memory_space<semaphore_mem>>
      %dma_start3A_52 = arith.constant 0 : i32
      %dma_start3A_53 = tpu.memref_slice %arg12[%add3A_16, %dma_start3A_52] : memref<10240x128xf32, #tpu.memory_space<vmem_shared>> -> memref<128x128xf32, #tpu.memory_space<vmem_shared>>
      %dma_start3A_54 = arith.constant 0 : i32
      %dma_start3A_55 = tpu.memref_slice %arg12[%add3A_16, %dma_start3A_54] : memref<10240x128xf32, #tpu.memory_space<vmem_shared>> -> memref<128x128xf32, #tpu.memory_space<vmem_shared>>
      tpu.enqueue_dma source(%arg10 : memref<128x128xf32, #tpu.memory_space<vmem>>) target(%dma_start3A_55 : memref<128x128xf32, #tpu.memory_space<vmem_shared>>) target_semaphore(%run_scoped3A_51 : memref<!tpu.dma_semaphore, #tpu.memory_space<semaphore_mem>>)
      %dma_wait3A_56 = arith.constant 0 : i32
      %dma_wait3A_57 = tpu.memref_slice %arg12[%add3A_16, %dma_wait3A_56] : memref<10240x128xf32, #tpu.memory_space<vmem_shared>> -> memref<128x128xf32, #tpu.memory_space<vmem_shared>>
      %dma_wait3A_58 = arith.constant 0 : i32
      %dma_wait3A_59 = tpu.memref_slice %arg12[%add3A_16, %dma_wait3A_58] : memref<10240x128xf32, #tpu.memory_space<vmem_shared>> -> memref<128x128xf32, #tpu.memory_space<vmem_shared>>
      tpu.wait_dma2 semaphore(%run_scoped3A_51 : memref<!tpu.dma_semaphore, #tpu.memory_space<semaphore_mem>>) src(%arg10 : memref<128x128xf32, #tpu.memory_space<vmem>>) dst(%dma_wait3A_59 : memref<128x128xf32, #tpu.memory_space<vmem_shared>>)
      tpu.yield
    }) : () -> ()
    %mul3A_17 = arith.constant 640 : i32
    %mul3A_18 = arith.muli %arg1, %mul3A_17 : i32
    %add3A_19 = arith.constant 512 : i32
    %add3A_20 = arith.addi %mul3A_18, %add3A_19 : i32
    "tpu.region"() ({
      %run_scoped3A_51 = tpu.sem_alloc : memref<!tpu.dma_semaphore, #tpu.memory_space<semaphore_mem>>
      %dma_start3A_52 = arith.constant 0 : i32
      %dma_start3A_53 = tpu.memref_slice %arg12[%add3A_20, %dma_start3A_52] : memref<10240x128xf32, #tpu.memory_space<vmem_shared>> -> memref<128x128xf32, #tpu.memory_space<vmem_shared>>
      %dma_start3A_54 = arith.constant 0 : i32
      %dma_start3A_55 = tpu.memref_slice %arg12[%add3A_20, %dma_start3A_54] : memref<10240x128xf32, #tpu.memory_space<vmem_shared>> -> memref<128x128xf32, #tpu.memory_space<vmem_shared>>
      tpu.enqueue_dma source(%arg10 : memref<128x128xf32, #tpu.memory_space<vmem>>) target(%dma_start3A_55 : memref<128x128xf32, #tpu.memory_space<vmem_shared>>) target_semaphore(%run_scoped3A_51 : memref<!tpu.dma_semaphore, #tpu.memory_space<semaphore_mem>>)
      %dma_wait3A_56 = arith.constant 0 : i32
      %dma_wait3A_57 = tpu.memref_slice %arg12[%add3A_20, %dma_wait3A_56] : memref<10240x128xf32, #tpu.memory_space<vmem_shared>> -> memref<128x128xf32, #tpu.memory_space<vmem_shared>>
      %dma_wait3A_58 = arith.constant 0 : i32
      %dma_wait3A_59 = tpu.memref_slice %arg12[%add3A_20, %dma_wait3A_58] : memref<10240x128xf32, #tpu.memory_space<vmem_shared>> -> memref<128x128xf32, #tpu.memory_space<vmem_shared>>
      tpu.wait_dma2 semaphore(%run_scoped3A_51 : memref<!tpu.dma_semaphore, #tpu.memory_space<semaphore_mem>>) src(%arg10 : memref<128x128xf32, #tpu.memory_space<vmem>>) dst(%dma_wait3A_59 : memref<128x128xf32, #tpu.memory_space<vmem_shared>>)
      tpu.yield
    }) : () -> ()
    %mul3A_21 = arith.constant 1280 : i32
    %mul3A_22 = arith.muli %arg0, %mul3A_21 : i32
    %mul3A_23 = arith.constant 80 : i32
    %mul3A_24 = arith.muli %arg1, %mul3A_23 : i32
    %add3A_25 = arith.addi %mul3A_22, %mul3A_24 : i32
    "tpu.region"() ({
      %run_scoped3A_51 = tpu.sem_alloc : memref<!tpu.dma_semaphore, #tpu.memory_space<semaphore_mem>>
      %dma_start3A_52 = arith.constant 0 : i32
      %dma_start3A_53 = tpu.memref_slice %arg4[%add3A_25, %dma_start3A_52] : memref<2560x128xi32, #tpu.memory_space<hbm>> -> memref<80x128xi32, #tpu.memory_space<hbm>>
      %dma_start3A_54 = arith.constant 0 : i32
      %dma_start3A_55 = tpu.memref_slice %arg4[%add3A_25, %dma_start3A_54] : memref<2560x128xi32, #tpu.memory_space<hbm>> -> memref<80x128xi32, #tpu.memory_space<hbm>>
      tpu.enqueue_dma source(%dma_start3A_55 : memref<80x128xi32, #tpu.memory_space<hbm>>) target(%arg9 : memref<80x128xi32, #tpu.memory_space<vmem>>) target_semaphore(%run_scoped3A_51 : memref<!tpu.dma_semaphore, #tpu.memory_space<semaphore_mem>>)
      %dma_wait3A_56 = arith.constant 0 : i32
      %dma_wait3A_57 = tpu.memref_slice %arg4[%add3A_25, %dma_wait3A_56] : memref<2560x128xi32, #tpu.memory_space<hbm>> -> memref<80x128xi32, #tpu.memory_space<hbm>>
      %dma_wait3A_58 = arith.constant 0 : i32
      %dma_wait3A_59 = tpu.memref_slice %arg4[%add3A_25, %dma_wait3A_58] : memref<2560x128xi32, #tpu.memory_space<hbm>> -> memref<80x128xi32, #tpu.memory_space<hbm>>
      tpu.wait_dma2 semaphore(%run_scoped3A_51 : memref<!tpu.dma_semaphore, #tpu.memory_space<semaphore_mem>>) src(%dma_wait3A_59 : memref<80x128xi32, #tpu.memory_space<hbm>>) dst(%arg9 : memref<80x128xi32, #tpu.memory_space<vmem>>)
      tpu.yield
    }) : () -> ()
    %barrier3A = arith.constant 0 : index
    tpu.barrier barrier_id(%barrier3A)
    %mul3A_26 = arith.constant 10240 : i32
    %mul3A_27 = arith.muli %add3A, %mul3A_26 : i32
    %add3A_28 = arith.constant 0 : i32
    %add3A_29 = arith.addi %mul3A_27, %add3A_28 : i32
    "tpu.region"() ({
      %run_scoped3A_51 = tpu.sem_alloc : memref<!tpu.dma_semaphore, #tpu.memory_space<semaphore_mem>>
      %dma_start3A_52 = tpu.memref_slice %arg3[%add3A_29] : memref<327680xi32, #tpu.memory_space<hbm>> -> memref<128xi32, #tpu.memory_space<hbm>>
      %dma_start3A_53 = tpu.memref_slice %arg3[%add3A_29] : memref<327680xi32, #tpu.memory_space<hbm>> -> memref<128xi32, #tpu.memory_space<hbm>>
      tpu.enqueue_dma source(%dma_start3A_53 : memref<128xi32, #tpu.memory_space<hbm>>) target(%arg7 : memref<128xi32, #tpu.memory_space<vmem>>) target_semaphore(%run_scoped3A_51 : memref<!tpu.dma_semaphore, #tpu.memory_space<semaphore_mem>>)
      %dma_wait3A_54 = tpu.memref_slice %arg3[%add3A_29] : memref<327680xi32, #tpu.memory_space<hbm>> -> memref<128xi32, #tpu.memory_space<hbm>>
      %dma_wait3A_55 = tpu.memref_slice %arg3[%add3A_29] : memref<327680xi32, #tpu.memory_space<hbm>> -> memref<128xi32, #tpu.memory_space<hbm>>
      tpu.wait_dma2 semaphore(%run_scoped3A_51 : memref<!tpu.dma_semaphore, #tpu.memory_space<semaphore_mem>>) src(%dma_wait3A_55 : memref<128xi32, #tpu.memory_space<hbm>>) dst(%arg7 : memref<128xi32, #tpu.memory_space<vmem>>)
      tpu.yield
    }) : () -> ()
    %dma_start3A = arith.constant 0 : i32
    %dma_start3A_30 = arith.constant 0 : i32
    %dma_start3A_31 = tpu.memref_slice %arg2[%dma_start3A, %dma_start3A_30] : memref<10000x128xf32, #tpu.memory_space<hbm>> -> memref<10000x128xf32, #tpu.memory_space<hbm>>
    tpu.enqueue_indirect_dma source(%dma_start3A_31 : memref<10000x128xf32, #tpu.memory_space<hbm>>) target(%arg10 : memref<128x128xf32, #tpu.memory_space<vmem>>) offsets(%arg7 : memref<128xi32, #tpu.memory_space<vmem>>) semaphore(%arg13 : memref<!tpu.dma_semaphore, #tpu.memory_space<semaphore_mem>>)
    %add3A_32 = arith.constant 128 : i32
    %add3A_33 = arith.addi %mul3A_27, %add3A_32 : i32
    "tpu.region"() ({
      %run_scoped3A_51 = tpu.sem_alloc : memref<!tpu.dma_semaphore, #tpu.memory_space<semaphore_mem>>
      %dma_start3A_52 = tpu.memref_slice %arg3[%add3A_33] : memref<327680xi32, #tpu.memory_space<hbm>> -> memref<128xi32, #tpu.memory_space<hbm>>
      %dma_start3A_53 = tpu.memref_slice %arg3[%add3A_33] : memref<327680xi32, #tpu.memory_space<hbm>> -> memref<128xi32, #tpu.memory_space<hbm>>
      tpu.enqueue_dma source(%dma_start3A_53 : memref<128xi32, #tpu.memory_space<hbm>>) target(%arg8 : memref<128xi32, #tpu.memory_space<vmem>>) target_semaphore(%run_scoped3A_51 : memref<!tpu.dma_semaphore, #tpu.memory_space<semaphore_mem>>)
      %dma_wait3A_54 = tpu.memref_slice %arg3[%add3A_33] : memref<327680xi32, #tpu.memory_space<hbm>> -> memref<128xi32, #tpu.memory_space<hbm>>
      %dma_wait3A_55 = tpu.memref_slice %arg3[%add3A_33] : memref<327680xi32, #tpu.memory_space<hbm>> -> memref<128xi32, #tpu.memory_space<hbm>>
      tpu.wait_dma2 semaphore(%run_scoped3A_51 : memref<!tpu.dma_semaphore, #tpu.memory_space<semaphore_mem>>) src(%dma_wait3A_55 : memref<128xi32, #tpu.memory_space<hbm>>) dst(%arg8 : memref<128xi32, #tpu.memory_space<vmem>>)
      tpu.yield
    }) : () -> ()
    %dma_start3A_34 = arith.constant 0 : i32
    %dma_start3A_35 = arith.constant 0 : i32
    %dma_start3A_36 = tpu.memref_slice %arg2[%dma_start3A_34, %dma_start3A_35] : memref<10000x128xf32, #tpu.memory_space<hbm>> -> memref<10000x128xf32, #tpu.memory_space<hbm>>
    tpu.enqueue_indirect_dma source(%dma_start3A_36 : memref<10000x128xf32, #tpu.memory_space<hbm>>) target(%arg11 : memref<128x128xf32, #tpu.memory_space<vmem>>) offsets(%arg8 : memref<128xi32, #tpu.memory_space<vmem>>) semaphore(%arg14 : memref<!tpu.dma_semaphore, #tpu.memory_space<semaphore_mem>>)
    %scan3A = arith.constant 0 : i32
    %scan3A_37 = arith.constant 0 : i32
    %scan3A_38 = arith.constant 39 : i32
    %scan3A_39 = arith.addi %scan3A_37, %scan3A_38 : i32
    %scan3A_40 = arith.constant 1 : i32
    scf.for %scan3A_51 = %scan3A_37 to %scan3A_39 step %scan3A_40  : i32 {
      %mul3A_52 = arith.constant 2 : i32
      %mul3A_53 = arith.muli %mul3A_52, %scan3A_51 : i32
      %dma_wait3A_54 = arith.constant 0 : i32
      %dma_wait3A_55 = arith.constant 0 : i32
      %dma_wait3A_56 = tpu.memref_slice %arg2[%dma_wait3A_54, %dma_wait3A_55] : memref<10000x128xf32, #tpu.memory_space<hbm>> -> memref<10000x128xf32, #tpu.memory_space<hbm>>
      tpu.wait_indirect_dma semaphore(%arg13 : memref<!tpu.dma_semaphore, #tpu.memory_space<semaphore_mem>>) src(%dma_wait3A_56 : memref<10000x128xf32, #tpu.memory_space<hbm>>) dst(%arg10 : memref<128x128xf32, #tpu.memory_space<vmem>>)
      "tpu.region"() ({
        %run_scoped3A_84 = tpu.sem_alloc : memref<!tpu.dma_semaphore, #tpu.memory_space<semaphore_mem>>
        %dma_start3A_85 = arith.constant 0 : i32
        %dma_start3A_86 = tpu.memref_slice %arg9[%mul3A_53, %dma_start3A_85] : memref<80x128xi32, #tpu.memory_space<vmem>> -> memref<1x128xi32, #tpu.memory_space<vmem>>
        %dma_start3A_87 = tpu.memref_squeeze %dma_start3A_86 : memref<1x128xi32, #tpu.memory_space<vmem>> -> memref<128xi32, #tpu.memory_space<vmem>>
        %dma_start3A_88 = arith.constant 0 : i32
        %dma_start3A_89 = arith.constant 0 : i32
        %dma_start3A_90 = tpu.memref_slice %arg12[%dma_start3A_88, %dma_start3A_89] : memref<10240x128xf32, #tpu.memory_space<vmem_shared>> -> memref<10240x128xf32, #tpu.memory_space<vmem_shared>>
        tpu.enqueue_indirect_dma source(%arg10 : memref<128x128xf32, #tpu.memory_space<vmem>>) target(%dma_start3A_90 : memref<10240x128xf32, #tpu.memory_space<vmem_shared>>) offsets(%dma_start3A_87 : memref<128xi32, #tpu.memory_space<vmem>>) semaphore(%run_scoped3A_84 : memref<!tpu.dma_semaphore, #tpu.memory_space<semaphore_mem>>) {add = true}
        %dma_wait3A_91 = arith.constant 0 : i32
        %dma_wait3A_92 = tpu.memref_slice %arg9[%mul3A_53, %dma_wait3A_91] : memref<80x128xi32, #tpu.memory_space<vmem>> -> memref<1x128xi32, #tpu.memory_space<vmem>>
        %dma_wait3A_93 = tpu.memref_squeeze %dma_wait3A_92 : memref<1x128xi32, #tpu.memory_space<vmem>> -> memref<128xi32, #tpu.memory_space<vmem>>
        %dma_wait3A_94 = arith.constant 0 : i32
        %dma_wait3A_95 = arith.constant 0 : i32
        %dma_wait3A_96 = tpu.memref_slice %arg12[%dma_wait3A_94, %dma_wait3A_95] : memref<10240x128xf32, #tpu.memory_space<vmem_shared>> -> memref<10240x128xf32, #tpu.memory_space<vmem_shared>>
        tpu.wait_indirect_dma semaphore(%run_scoped3A_84 : memref<!tpu.dma_semaphore, #tpu.memory_space<semaphore_mem>>) src(%arg10 : memref<128x128xf32, #tpu.memory_space<vmem>>) dst(%dma_wait3A_96 : memref<10240x128xf32, #tpu.memory_space<vmem_shared>>)
        tpu.yield
      }) : () -> ()
      %mul3A_57 = arith.constant 2 : i32
      %mul3A_58 = arith.muli %mul3A_57, %scan3A_51 : i32
      %add3A_59 = arith.constant 2 : i32
      %add3A_60 = arith.addi %mul3A_58, %add3A_59 : i32
      %mul3A_61 = arith.constant 128 : i32
      %mul3A_62 = arith.muli %add3A_60, %mul3A_61 : i32
      %add3A_63 = arith.addi %mul3A_27, %mul3A_62 : i32
      "tpu.region"() ({
        %run_scoped3A_84 = tpu.sem_alloc : memref<!tpu.dma_semaphore, #tpu.memory_space<semaphore_mem>>
        %dma_start3A_85 = tpu.memref_slice %arg3[%add3A_63] : memref<327680xi32, #tpu.memory_space<hbm>> -> memref<128xi32, #tpu.memory_space<hbm>>
        %dma_start3A_86 = tpu.memref_slice %arg3[%add3A_63] : memref<327680xi32, #tpu.memory_space<hbm>> -> memref<128xi32, #tpu.memory_space<hbm>>
        tpu.enqueue_dma source(%dma_start3A_86 : memref<128xi32, #tpu.memory_space<hbm>>) target(%arg7 : memref<128xi32, #tpu.memory_space<vmem>>) target_semaphore(%run_scoped3A_84 : memref<!tpu.dma_semaphore, #tpu.memory_space<semaphore_mem>>)
        %dma_wait3A_87 = tpu.memref_slice %arg3[%add3A_63] : memref<327680xi32, #tpu.memory_space<hbm>> -> memref<128xi32, #tpu.memory_space<hbm>>
        %dma_wait3A_88 = tpu.memref_slice %arg3[%add3A_63] : memref<327680xi32, #tpu.memory_space<hbm>> -> memref<128xi32, #tpu.memory_space<hbm>>
        tpu.wait_dma2 semaphore(%run_scoped3A_84 : memref<!tpu.dma_semaphore, #tpu.memory_space<semaphore_mem>>) src(%dma_wait3A_88 : memref<128xi32, #tpu.memory_space<hbm>>) dst(%arg7 : memref<128xi32, #tpu.memory_space<vmem>>)
        tpu.yield
      }) : () -> ()
      %dma_start3A_64 = arith.constant 0 : i32
      %dma_start3A_65 = arith.constant 0 : i32
      %dma_start3A_66 = tpu.memref_slice %arg2[%dma_start3A_64, %dma_start3A_65] : memref<10000x128xf32, #tpu.memory_space<hbm>> -> memref<10000x128xf32, #tpu.memory_space<hbm>>
      tpu.enqueue_indirect_dma source(%dma_start3A_66 : memref<10000x128xf32, #tpu.memory_space<hbm>>) target(%arg10 : memref<128x128xf32, #tpu.memory_space<vmem>>) offsets(%arg7 : memref<128xi32, #tpu.memory_space<vmem>>) semaphore(%arg13 : memref<!tpu.dma_semaphore, #tpu.memory_space<semaphore_mem>>)
      %mul3A_67 = arith.constant 2 : i32
      %mul3A_68 = arith.muli %mul3A_67, %scan3A_51 : i32
      %add3A_69 = arith.constant 1 : i32
      %add3A_70 = arith.addi %mul3A_68, %add3A_69 : i32
      %dma_wait3A_71 = arith.constant 0 : i32
      %dma_wait3A_72 = arith.constant 0 : i32
      %dma_wait3A_73 = tpu.memref_slice %arg2[%dma_wait3A_71, %dma_wait3A_72] : memref<10000x128xf32, #tpu.memory_space<hbm>> -> memref<10000x128xf32, #tpu.memory_space<hbm>>
      tpu.wait_indirect_dma semaphore(%arg14 : memref<!tpu.dma_semaphore, #tpu.memory_space<semaphore_mem>>) src(%dma_wait3A_73 : memref<10000x128xf32, #tpu.memory_space<hbm>>) dst(%arg11 : memref<128x128xf32, #tpu.memory_space<vmem>>)
      "tpu.region"() ({
        %run_scoped3A_84 = tpu.sem_alloc : memref<!tpu.dma_semaphore, #tpu.memory_space<semaphore_mem>>
        %dma_start3A_85 = arith.constant 0 : i32
        %dma_start3A_86 = tpu.memref_slice %arg9[%add3A_70, %dma_start3A_85] : memref<80x128xi32, #tpu.memory_space<vmem>> -> memref<1x128xi32, #tpu.memory_space<vmem>>
        %dma_start3A_87 = tpu.memref_squeeze %dma_start3A_86 : memref<1x128xi32, #tpu.memory_space<vmem>> -> memref<128xi32, #tpu.memory_space<vmem>>
        %dma_start3A_88 = arith.constant 0 : i32
        %dma_start3A_89 = arith.constant 0 : i32
        %dma_start3A_90 = tpu.memref_slice %arg12[%dma_start3A_88, %dma_start3A_89] : memref<10240x128xf32, #tpu.memory_space<vmem_shared>> -> memref<10240x128xf32, #tpu.memory_space<vmem_shared>>
        tpu.enqueue_indirect_dma source(%arg11 : memref<128x128xf32, #tpu.memory_space<vmem>>) target(%dma_start3A_90 : memref<10240x128xf32, #tpu.memory_space<vmem_shared>>) offsets(%dma_start3A_87 : memref<128xi32, #tpu.memory_space<vmem>>) semaphore(%run_scoped3A_84 : memref<!tpu.dma_semaphore, #tpu.memory_space<semaphore_mem>>) {add = true}
        %dma_wait3A_91 = arith.constant 0 : i32
        %dma_wait3A_92 = tpu.memref_slice %arg9[%add3A_70, %dma_wait3A_91] : memref<80x128xi32, #tpu.memory_space<vmem>> -> memref<1x128xi32, #tpu.memory_space<vmem>>
        %dma_wait3A_93 = tpu.memref_squeeze %dma_wait3A_92 : memref<1x128xi32, #tpu.memory_space<vmem>> -> memref<128xi32, #tpu.memory_space<vmem>>
        %dma_wait3A_94 = arith.constant 0 : i32
        %dma_wait3A_95 = arith.constant 0 : i32
        %dma_wait3A_96 = tpu.memref_slice %arg12[%dma_wait3A_94, %dma_wait3A_95] : memref<10240x128xf32, #tpu.memory_space<vmem_shared>> -> memref<10240x128xf32, #tpu.memory_space<vmem_shared>>
        tpu.wait_indirect_dma semaphore(%run_scoped3A_84 : memref<!tpu.dma_semaphore, #tpu.memory_space<semaphore_mem>>) src(%arg11 : memref<128x128xf32, #tpu.memory_space<vmem>>) dst(%dma_wait3A_96 : memref<10240x128xf32, #tpu.memory_space<vmem_shared>>)
        tpu.yield
      }) : () -> ()
      %mul3A_74 = arith.constant 2 : i32
      %mul3A_75 = arith.muli %mul3A_74, %scan3A_51 : i32
      %add3A_76 = arith.constant 3 : i32
      %add3A_77 = arith.addi %mul3A_75, %add3A_76 : i32
      %mul3A_78 = arith.constant 128 : i32
      %mul3A_79 = arith.muli %add3A_77, %mul3A_78 : i32
      %add3A_80 = arith.addi %mul3A_27, %mul3A_79 : i32
      "tpu.region"() ({
        %run_scoped3A_84 = tpu.sem_alloc : memref<!tpu.dma_semaphore, #tpu.memory_space<semaphore_mem>>
        %dma_start3A_85 = tpu.memref_slice %arg3[%add3A_80] : memref<327680xi32, #tpu.memory_space<hbm>> -> memref<128xi32, #tpu.memory_space<hbm>>
        %dma_start3A_86 = tpu.memref_slice %arg3[%add3A_80] : memref<327680xi32, #tpu.memory_space<hbm>> -> memref<128xi32, #tpu.memory_space<hbm>>
        tpu.enqueue_dma source(%dma_start3A_86 : memref<128xi32, #tpu.memory_space<hbm>>) target(%arg8 : memref<128xi32, #tpu.memory_space<vmem>>) target_semaphore(%run_scoped3A_84 : memref<!tpu.dma_semaphore, #tpu.memory_space<semaphore_mem>>)
        %dma_wait3A_87 = tpu.memref_slice %arg3[%add3A_80] : memref<327680xi32, #tpu.memory_space<hbm>> -> memref<128xi32, #tpu.memory_space<hbm>>
        %dma_wait3A_88 = tpu.memref_slice %arg3[%add3A_80] : memref<327680xi32, #tpu.memory_space<hbm>> -> memref<128xi32, #tpu.memory_space<hbm>>
        tpu.wait_dma2 semaphore(%run_scoped3A_84 : memref<!tpu.dma_semaphore, #tpu.memory_space<semaphore_mem>>) src(%dma_wait3A_88 : memref<128xi32, #tpu.memory_space<hbm>>) dst(%arg8 : memref<128xi32, #tpu.memory_space<vmem>>)
        tpu.yield
      }) : () -> ()
      %dma_start3A_81 = arith.constant 0 : i32
      %dma_start3A_82 = arith.constant 0 : i32
      %dma_start3A_83 = tpu.memref_slice %arg2[%dma_start3A_81, %dma_start3A_82] : memref<10000x128xf32, #tpu.memory_space<hbm>> -> memref<10000x128xf32, #tpu.memory_space<hbm>>
      tpu.enqueue_indirect_dma source(%dma_start3A_83 : memref<10000x128xf32, #tpu.memory_space<hbm>>) target(%arg11 : memref<128x128xf32, #tpu.memory_space<vmem>>) offsets(%arg8 : memref<128xi32, #tpu.memory_space<vmem>>) semaphore(%arg14 : memref<!tpu.dma_semaphore, #tpu.memory_space<semaphore_mem>>)
    }
    %scan3A_41 = arith.constant 39 : i32
    %dma_wait3A = arith.constant 0 : i32
    %dma_wait3A_42 = arith.constant 0 : i32
    %dma_wait3A_43 = tpu.memref_slice %arg2[%dma_wait3A, %dma_wait3A_42] : memref<10000x128xf32, #tpu.memory_space<hbm>> -> memref<10000x128xf32, #tpu.memory_space<hbm>>
    tpu.wait_indirect_dma semaphore(%arg13 : memref<!tpu.dma_semaphore, #tpu.memory_space<semaphore_mem>>) src(%dma_wait3A_43 : memref<10000x128xf32, #tpu.memory_space<hbm>>) dst(%arg10 : memref<128x128xf32, #tpu.memory_space<vmem>>)
    %run_scoped3A = arith.constant 78 : i32
    "tpu.region"() ({
      %run_scoped3A_51 = tpu.sem_alloc : memref<!tpu.dma_semaphore, #tpu.memory_space<semaphore_mem>>
      %dma_start3A_52 = arith.constant 0 : i32
      %dma_start3A_53 = tpu.memref_slice %arg9[%run_scoped3A, %dma_start3A_52] : memref<80x128xi32, #tpu.memory_space<vmem>> -> memref<1x128xi32, #tpu.memory_space<vmem>>
      %dma_start3A_54 = tpu.memref_squeeze %dma_start3A_53 : memref<1x128xi32, #tpu.memory_space<vmem>> -> memref<128xi32, #tpu.memory_space<vmem>>
      %dma_start3A_55 = arith.constant 0 : i32
      %dma_start3A_56 = arith.constant 0 : i32
      %dma_start3A_57 = tpu.memref_slice %arg12[%dma_start3A_55, %dma_start3A_56] : memref<10240x128xf32, #tpu.memory_space<vmem_shared>> -> memref<10240x128xf32, #tpu.memory_space<vmem_shared>>
      tpu.enqueue_indirect_dma source(%arg10 : memref<128x128xf32, #tpu.memory_space<vmem>>) target(%dma_start3A_57 : memref<10240x128xf32, #tpu.memory_space<vmem_shared>>) offsets(%dma_start3A_54 : memref<128xi32, #tpu.memory_space<vmem>>) semaphore(%run_scoped3A_51 : memref<!tpu.dma_semaphore, #tpu.memory_space<semaphore_mem>>) {add = true}
      %dma_wait3A_58 = arith.constant 0 : i32
      %dma_wait3A_59 = tpu.memref_slice %arg9[%run_scoped3A, %dma_wait3A_58] : memref<80x128xi32, #tpu.memory_space<vmem>> -> memref<1x128xi32, #tpu.memory_space<vmem>>
      %dma_wait3A_60 = tpu.memref_squeeze %dma_wait3A_59 : memref<1x128xi32, #tpu.memory_space<vmem>> -> memref<128xi32, #tpu.memory_space<vmem>>
      %dma_wait3A_61 = arith.constant 0 : i32
      %dma_wait3A_62 = arith.constant 0 : i32
      %dma_wait3A_63 = tpu.memref_slice %arg12[%dma_wait3A_61, %dma_wait3A_62] : memref<10240x128xf32, #tpu.memory_space<vmem_shared>> -> memref<10240x128xf32, #tpu.memory_space<vmem_shared>>
      tpu.wait_indirect_dma semaphore(%run_scoped3A_51 : memref<!tpu.dma_semaphore, #tpu.memory_space<semaphore_mem>>) src(%arg10 : memref<128x128xf32, #tpu.memory_space<vmem>>) dst(%dma_wait3A_63 : memref<10240x128xf32, #tpu.memory_space<vmem_shared>>)
      tpu.yield
    }) : () -> ()
    %dma_wait3A_44 = arith.constant 0 : i32
    %dma_wait3A_45 = arith.constant 0 : i32
    %dma_wait3A_46 = tpu.memref_slice %arg2[%dma_wait3A_44, %dma_wait3A_45] : memref<10000x128xf32, #tpu.memory_space<hbm>> -> memref<10000x128xf32, #tpu.memory_space<hbm>>
    tpu.wait_indirect_dma semaphore(%arg14 : memref<!tpu.dma_semaphore, #tpu.memory_space<semaphore_mem>>) src(%dma_wait3A_46 : memref<10000x128xf32, #tpu.memory_space<hbm>>) dst(%arg11 : memref<128x128xf32, #tpu.memory_space<vmem>>)
    %run_scoped3A_47 = arith.constant 79 : i32
    "tpu.region"() ({
      %run_scoped3A_51 = tpu.sem_alloc : memref<!tpu.dma_semaphore, #tpu.memory_space<semaphore_mem>>
      %dma_start3A_52 = arith.constant 0 : i32
      %dma_start3A_53 = tpu.memref_slice %arg9[%run_scoped3A_47, %dma_start3A_52] : memref<80x128xi32, #tpu.memory_space<vmem>> -> memref<1x128xi32, #tpu.memory_space<vmem>>
      %dma_start3A_54 = tpu.memref_squeeze %dma_start3A_53 : memref<1x128xi32, #tpu.memory_space<vmem>> -> memref<128xi32, #tpu.memory_space<vmem>>
      %dma_start3A_55 = arith.constant 0 : i32
      %dma_start3A_56 = arith.constant 0 : i32
      %dma_start3A_57 = tpu.memref_slice %arg12[%dma_start3A_55, %dma_start3A_56] : memref<10240x128xf32, #tpu.memory_space<vmem_shared>> -> memref<10240x128xf32, #tpu.memory_space<vmem_shared>>
      tpu.enqueue_indirect_dma source(%arg11 : memref<128x128xf32, #tpu.memory_space<vmem>>) target(%dma_start3A_57 : memref<10240x128xf32, #tpu.memory_space<vmem_shared>>) offsets(%dma_start3A_54 : memref<128xi32, #tpu.memory_space<vmem>>) semaphore(%run_scoped3A_51 : memref<!tpu.dma_semaphore, #tpu.memory_space<semaphore_mem>>) {add = true}
      %dma_wait3A_58 = arith.constant 0 : i32
      %dma_wait3A_59 = tpu.memref_slice %arg9[%run_scoped3A_47, %dma_wait3A_58] : memref<80x128xi32, #tpu.memory_space<vmem>> -> memref<1x128xi32, #tpu.memory_space<vmem>>
      %dma_wait3A_60 = tpu.memref_squeeze %dma_wait3A_59 : memref<1x128xi32, #tpu.memory_space<vmem>> -> memref<128xi32, #tpu.memory_space<vmem>>
      %dma_wait3A_61 = arith.constant 0 : i32
      %dma_wait3A_62 = arith.constant 0 : i32
      %dma_wait3A_63 = tpu.memref_slice %arg12[%dma_wait3A_61, %dma_wait3A_62] : memref<10240x128xf32, #tpu.memory_space<vmem_shared>> -> memref<10240x128xf32, #tpu.memory_space<vmem_shared>>
      tpu.wait_indirect_dma semaphore(%run_scoped3A_51 : memref<!tpu.dma_semaphore, #tpu.memory_space<semaphore_mem>>) src(%arg11 : memref<128x128xf32, #tpu.memory_space<vmem>>) dst(%dma_wait3A_63 : memref<10240x128xf32, #tpu.memory_space<vmem_shared>>)
      tpu.yield
    }) : () -> ()
    %barrier3A_48 = arith.constant 0 : index
    tpu.barrier barrier_id(%barrier3A_48)
    %mul3A_49 = arith.constant 640 : i32
    %mul3A_50 = arith.muli %arg1, %mul3A_49 : i32
    "tpu.region"() ({
      %run_scoped3A_51 = tpu.sem_alloc : memref<!tpu.dma_semaphore, #tpu.memory_space<semaphore_mem>>
      %dma_start3A_52 = arith.constant 0 : i32
      %dma_start3A_53 = tpu.memref_slice %arg6[%arg0, %mul3A_50, %dma_start3A_52] : memref<2x10240x128xf32, #tpu.memory_space<hbm>> -> memref<1x640x128xf32, #tpu.memory_space<hbm>>
      %dma_start3A_54 = tpu.memref_squeeze %dma_start3A_53 : memref<1x640x128xf32, #tpu.memory_space<hbm>> -> memref<640x128xf32, #tpu.memory_space<hbm>>
      %dma_start3A_55 = arith.constant 0 : i32
      %dma_start3A_56 = tpu.memref_slice %arg12[%mul3A_50, %dma_start3A_55] : memref<10240x128xf32, #tpu.memory_space<vmem_shared>> -> memref<640x128xf32, #tpu.memory_space<vmem_shared>>
      tpu.enqueue_dma source(%dma_start3A_56 : memref<640x128xf32, #tpu.memory_space<vmem_shared>>) target(%dma_start3A_54 : memref<640x128xf32, #tpu.memory_space<hbm>>) target_semaphore(%run_scoped3A_51 : memref<!tpu.dma_semaphore, #tpu.memory_space<semaphore_mem>>)
      %dma_wait3A_57 = arith.constant 0 : i32
      %dma_wait3A_58 = tpu.memref_slice %arg6[%arg0, %mul3A_50, %dma_wait3A_57] : memref<2x10240x128xf32, #tpu.memory_space<hbm>> -> memref<1x640x128xf32, #tpu.memory_space<hbm>>
      %dma_wait3A_59 = tpu.memref_squeeze %dma_wait3A_58 : memref<1x640x128xf32, #tpu.memory_space<hbm>> -> memref<640x128xf32, #tpu.memory_space<hbm>>
      %dma_wait3A_60 = arith.constant 0 : i32
      %dma_wait3A_61 = tpu.memref_slice %arg12[%mul3A_50, %dma_wait3A_60] : memref<10240x128xf32, #tpu.memory_space<vmem_shared>> -> memref<640x128xf32, #tpu.memory_space<vmem_shared>>
      tpu.wait_dma2 semaphore(%run_scoped3A_51 : memref<!tpu.dma_semaphore, #tpu.memory_space<semaphore_mem>>) src(%dma_wait3A_61 : memref<640x128xf32, #tpu.memory_space<vmem_shared>>) dst(%dma_wait3A_59 : memref<640x128xf32, #tpu.memory_space<hbm>>)
      tpu.yield
    }) : () -> ()
    return
  }
}

#map = affine_map<(d0, d1) -> (0, 0)>
#map1 = affine_map<(d0, d1) -> (0)>
#map2 = affine_map<(d0, d1) -> (0, 0, 0)>
module attributes {stable_mosaic.version = 14 : i64} {
  func.func @s_mp(%arg0: i32, %arg1: i32, %arg2: memref<10000x128xf32, #tpu.memory_space<hbm>>, %arg3: memref<327680xi32, #tpu.memory_space<hbm>>, %arg4: memref<2560x128xi32, #tpu.memory_space<hbm>>, %arg5: memref<128x128xf32, #tpu.memory_space<hbm>>, %arg6: memref<2x10240x128xf32, #tpu.memory_space<hbm>>, %arg7: memref<128xi32, #tpu.memory_space<vmem>>, %arg8: memref<128xi32, #tpu.memory_space<vmem>>, %arg9: memref<80x128xi32, #tpu.memory_space<vmem>>, %arg10: memref<128x128xf32, #tpu.memory_space<vmem>>, %arg11: memref<128x128xf32, #tpu.memory_space<vmem>>, %arg12: memref<10240x128xf32, #tpu.memory_space<vmem_shared>>, %arg13: memref<!tpu.dma_semaphore, #tpu.memory_space<semaphore_mem>>, %arg14: memref<!tpu.dma_semaphore, #tpu.memory_space<semaphore_mem>>) attributes {dimension_semantics = [#tpu.dimension_semantics<core_parallel>, #tpu.dimension_semantics<subcore_parallel>], iteration_bounds = array<i64: 2, 16>, scalar_prefetch = 0 : i64, scratch_operands = 8 : i64, tpu.core_type = #tpu.core_type<sc_vector_subcore>, window_params = [{transform_indices = #map}, {transform_indices = #map1}, {transform_indices = #map}, {transform_indices = #map}, {transform_indices = #map2}]} {
    %mul3A = arith.constant 16 : i32
    %mul3A_0 = arith.muli %arg0, %mul3A : i32
    %add3A = arith.addi %mul3A_0, %arg1 : i32
    "tpu.region"() ({
      %run_scoped3A_51 = tpu.sem_alloc : memref<!tpu.dma_semaphore, #tpu.memory_space<semaphore_mem>>
      tpu.enqueue_dma source(%arg5 : memref<128x128xf32, #tpu.memory_space<hbm>>) target(%arg10 : memref<128x128xf32, #tpu.memory_space<vmem>>) target_semaphore(%run_scoped3A_51 : memref<!tpu.dma_semaphore, #tpu.memory_space<semaphore_mem>>)
      tpu.wait_dma2 semaphore(%run_scoped3A_51 : memref<!tpu.dma_semaphore, #tpu.memory_space<semaphore_mem>>) src(%arg5 : memref<128x128xf32, #tpu.memory_space<hbm>>) dst(%arg10 : memref<128x128xf32, #tpu.memory_space<vmem>>)
      tpu.yield
    }) : () -> ()
    %mul3A_1 = arith.constant 640 : i32
    %mul3A_2 = arith.muli %arg1, %mul3A_1 : i32
    %add3A_3 = arith.constant 0 : i32
    %add3A_4 = arith.addi %mul3A_2, %add3A_3 : i32
    "tpu.region"() ({
      %run_scoped3A_51 = tpu.sem_alloc : memref<!tpu.dma_semaphore, #tpu.memory_space<semaphore_mem>>
      %dma_start3A_52 = arith.constant 0 : i32
      %dma_start3A_53 = tpu.memref_slice %arg12[%add3A_4, %dma_start3A_52] : memref<10240x128xf32, #tpu.memory_space<vmem_shared>> -> memref<128x128xf32, #tpu.memory_space<vmem_shared>>
      %dma_start3A_54 = arith.constant 0 : i32
      %dma_start3A_55 = tpu.memref_slice %arg12[%add3A_4, %dma_start3A_54] : memref<10240x128xf32, #tpu.memory_space<vmem_shared>> -> memref<128x128xf32, #tpu.memory_space<vmem_shared>>
      tpu.enqueue_dma source(%arg10 : memref<128x128xf32, #tpu.memory_space<vmem>>) target(%dma_start3A_55 : memref<128x128xf32, #tpu.memory_space<vmem_shared>>) target_semaphore(%run_scoped3A_51 : memref<!tpu.dma_semaphore, #tpu.memory_space<semaphore_mem>>)
      %dma_wait3A_56 = arith.constant 0 : i32
      %dma_wait3A_57 = tpu.memref_slice %arg12[%add3A_4, %dma_wait3A_56] : memref<10240x128xf32, #tpu.memory_space<vmem_shared>> -> memref<128x128xf32, #tpu.memory_space<vmem_shared>>
      %dma_wait3A_58 = arith.constant 0 : i32
      %dma_wait3A_59 = tpu.memref_slice %arg12[%add3A_4, %dma_wait3A_58] : memref<10240x128xf32, #tpu.memory_space<vmem_shared>> -> memref<128x128xf32, #tpu.memory_space<vmem_shared>>
      tpu.wait_dma2 semaphore(%run_scoped3A_51 : memref<!tpu.dma_semaphore, #tpu.memory_space<semaphore_mem>>) src(%arg10 : memref<128x128xf32, #tpu.memory_space<vmem>>) dst(%dma_wait3A_59 : memref<128x128xf32, #tpu.memory_space<vmem_shared>>)
      tpu.yield
    }) : () -> ()
    %mul3A_5 = arith.constant 640 : i32
    %mul3A_6 = arith.muli %arg1, %mul3A_5 : i32
    %add3A_7 = arith.constant 128 : i32
    %add3A_8 = arith.addi %mul3A_6, %add3A_7 : i32
    "tpu.region"() ({
      %run_scoped3A_51 = tpu.sem_alloc : memref<!tpu.dma_semaphore, #tpu.memory_space<semaphore_mem>>
      %dma_start3A_52 = arith.constant 0 : i32
      %dma_start3A_53 = tpu.memref_slice %arg12[%add3A_8, %dma_start3A_52] : memref<10240x128xf32, #tpu.memory_space<vmem_shared>> -> memref<128x128xf32, #tpu.memory_space<vmem_shared>>
      %dma_start3A_54 = arith.constant 0 : i32
      %dma_start3A_55 = tpu.memref_slice %arg12[%add3A_8, %dma_start3A_54] : memref<10240x128xf32, #tpu.memory_space<vmem_shared>> -> memref<128x128xf32, #tpu.memory_space<vmem_shared>>
      tpu.enqueue_dma source(%arg10 : memref<128x128xf32, #tpu.memory_space<vmem>>) target(%dma_start3A_55 : memref<128x128xf32, #tpu.memory_space<vmem_shared>>) target_semaphore(%run_scoped3A_51 : memref<!tpu.dma_semaphore, #tpu.memory_space<semaphore_mem>>)
      %dma_wait3A_56 = arith.constant 0 : i32
      %dma_wait3A_57 = tpu.memref_slice %arg12[%add3A_8, %dma_wait3A_56] : memref<10240x128xf32, #tpu.memory_space<vmem_shared>> -> memref<128x128xf32, #tpu.memory_space<vmem_shared>>
      %dma_wait3A_58 = arith.constant 0 : i32
      %dma_wait3A_59 = tpu.memref_slice %arg12[%add3A_8, %dma_wait3A_58] : memref<10240x128xf32, #tpu.memory_space<vmem_shared>> -> memref<128x128xf32, #tpu.memory_space<vmem_shared>>
      tpu.wait_dma2 semaphore(%run_scoped3A_51 : memref<!tpu.dma_semaphore, #tpu.memory_space<semaphore_mem>>) src(%arg10 : memref<128x128xf32, #tpu.memory_space<vmem>>) dst(%dma_wait3A_59 : memref<128x128xf32, #tpu.memory_space<vmem_shared>>)
      tpu.yield
    }) : () -> ()
    %mul3A_9 = arith.constant 640 : i32
    %mul3A_10 = arith.muli %arg1, %mul3A_9 : i32
    %add3A_11 = arith.constant 256 : i32
    %add3A_12 = arith.addi %mul3A_10, %add3A_11 : i32
    "tpu.region"() ({
      %run_scoped3A_51 = tpu.sem_alloc : memref<!tpu.dma_semaphore, #tpu.memory_space<semaphore_mem>>
      %dma_start3A_52 = arith.constant 0 : i32
      %dma_start3A_53 = tpu.memref_slice %arg12[%add3A_12, %dma_start3A_52] : memref<10240x128xf32, #tpu.memory_space<vmem_shared>> -> memref<128x128xf32, #tpu.memory_space<vmem_shared>>
      %dma_start3A_54 = arith.constant 0 : i32
      %dma_start3A_55 = tpu.memref_slice %arg12[%add3A_12, %dma_start3A_54] : memref<10240x128xf32, #tpu.memory_space<vmem_shared>> -> memref<128x128xf32, #tpu.memory_space<vmem_shared>>
      tpu.enqueue_dma source(%arg10 : memref<128x128xf32, #tpu.memory_space<vmem>>) target(%dma_start3A_55 : memref<128x128xf32, #tpu.memory_space<vmem_shared>>) target_semaphore(%run_scoped3A_51 : memref<!tpu.dma_semaphore, #tpu.memory_space<semaphore_mem>>)
      %dma_wait3A_56 = arith.constant 0 : i32
      %dma_wait3A_57 = tpu.memref_slice %arg12[%add3A_12, %dma_wait3A_56] : memref<10240x128xf32, #tpu.memory_space<vmem_shared>> -> memref<128x128xf32, #tpu.memory_space<vmem_shared>>
      %dma_wait3A_58 = arith.constant 0 : i32
      %dma_wait3A_59 = tpu.memref_slice %arg12[%add3A_12, %dma_wait3A_58] : memref<10240x128xf32, #tpu.memory_space<vmem_shared>> -> memref<128x128xf32, #tpu.memory_space<vmem_shared>>
      tpu.wait_dma2 semaphore(%run_scoped3A_51 : memref<!tpu.dma_semaphore, #tpu.memory_space<semaphore_mem>>) src(%arg10 : memref<128x128xf32, #tpu.memory_space<vmem>>) dst(%dma_wait3A_59 : memref<128x128xf32, #tpu.memory_space<vmem_shared>>)
      tpu.yield
    }) : () -> ()
    %mul3A_13 = arith.constant 640 : i32
    %mul3A_14 = arith.muli %arg1, %mul3A_13 : i32
    %add3A_15 = arith.constant 384 : i32
    %add3A_16 = arith.addi %mul3A_14, %add3A_15 : i32
    "tpu.region"() ({
      %run_scoped3A_51 = tpu.sem_alloc : memref<!tpu.dma_semaphore, #tpu.memory_space<semaphore_mem>>
      %dma_start3A_52 = arith.constant 0 : i32
      %dma_start3A_53 = tpu.memref_slice %arg12[%add3A_16, %dma_start3A_52] : memref<10240x128xf32, #tpu.memory_space<vmem_shared>> -> memref<128x128xf32, #tpu.memory_space<vmem_shared>>
      %dma_start3A_54 = arith.constant 0 : i32
      %dma_start3A_55 = tpu.memref_slice %arg12[%add3A_16, %dma_start3A_54] : memref<10240x128xf32, #tpu.memory_space<vmem_shared>> -> memref<128x128xf32, #tpu.memory_space<vmem_shared>>
      tpu.enqueue_dma source(%arg10 : memref<128x128xf32, #tpu.memory_space<vmem>>) target(%dma_start3A_55 : memref<128x128xf32, #tpu.memory_space<vmem_shared>>) target_semaphore(%run_scoped3A_51 : memref<!tpu.dma_semaphore, #tpu.memory_space<semaphore_mem>>)
      %dma_wait3A_56 = arith.constant 0 : i32
      %dma_wait3A_57 = tpu.memref_slice %arg12[%add3A_16, %dma_wait3A_56] : memref<10240x128xf32, #tpu.memory_space<vmem_shared>> -> memref<128x128xf32, #tpu.memory_space<vmem_shared>>
      %dma_wait3A_58 = arith.constant 0 : i32
      %dma_wait3A_59 = tpu.memref_slice %arg12[%add3A_16, %dma_wait3A_58] : memref<10240x128xf32, #tpu.memory_space<vmem_shared>> -> memref<128x128xf32, #tpu.memory_space<vmem_shared>>
      tpu.wait_dma2 semaphore(%run_scoped3A_51 : memref<!tpu.dma_semaphore, #tpu.memory_space<semaphore_mem>>) src(%arg10 : memref<128x128xf32, #tpu.memory_space<vmem>>) dst(%dma_wait3A_59 : memref<128x128xf32, #tpu.memory_space<vmem_shared>>)
      tpu.yield
    }) : () -> ()
    %mul3A_17 = arith.constant 640 : i32
    %mul3A_18 = arith.muli %arg1, %mul3A_17 : i32
    %add3A_19 = arith.constant 512 : i32
    %add3A_20 = arith.addi %mul3A_18, %add3A_19 : i32
    "tpu.region"() ({
      %run_scoped3A_51 = tpu.sem_alloc : memref<!tpu.dma_semaphore, #tpu.memory_space<semaphore_mem>>
      %dma_start3A_52 = arith.constant 0 : i32
      %dma_start3A_53 = tpu.memref_slice %arg12[%add3A_20, %dma_start3A_52] : memref<10240x128xf32, #tpu.memory_space<vmem_shared>> -> memref<128x128xf32, #tpu.memory_space<vmem_shared>>
      %dma_start3A_54 = arith.constant 0 : i32
      %dma_start3A_55 = tpu.memref_slice %arg12[%add3A_20, %dma_start3A_54] : memref<10240x128xf32, #tpu.memory_space<vmem_shared>> -> memref<128x128xf32, #tpu.memory_space<vmem_shared>>
      tpu.enqueue_dma source(%arg10 : memref<128x128xf32, #tpu.memory_space<vmem>>) target(%dma_start3A_55 : memref<128x128xf32, #tpu.memory_space<vmem_shared>>) target_semaphore(%run_scoped3A_51 : memref<!tpu.dma_semaphore, #tpu.memory_space<semaphore_mem>>)
      %dma_wait3A_56 = arith.constant 0 : i32
      %dma_wait3A_57 = tpu.memref_slice %arg12[%add3A_20, %dma_wait3A_56] : memref<10240x128xf32, #tpu.memory_space<vmem_shared>> -> memref<128x128xf32, #tpu.memory_space<vmem_shared>>
      %dma_wait3A_58 = arith.constant 0 : i32
      %dma_wait3A_59 = tpu.memref_slice %arg12[%add3A_20, %dma_wait3A_58] : memref<10240x128xf32, #tpu.memory_space<vmem_shared>> -> memref<128x128xf32, #tpu.memory_space<vmem_shared>>
      tpu.wait_dma2 semaphore(%run_scoped3A_51 : memref<!tpu.dma_semaphore, #tpu.memory_space<semaphore_mem>>) src(%arg10 : memref<128x128xf32, #tpu.memory_space<vmem>>) dst(%dma_wait3A_59 : memref<128x128xf32, #tpu.memory_space<vmem_shared>>)
      tpu.yield
    }) : () -> ()
    %mul3A_21 = arith.constant 1280 : i32
    %mul3A_22 = arith.muli %arg0, %mul3A_21 : i32
    %mul3A_23 = arith.constant 80 : i32
    %mul3A_24 = arith.muli %arg1, %mul3A_23 : i32
    %add3A_25 = arith.addi %mul3A_22, %mul3A_24 : i32
    "tpu.region"() ({
      %run_scoped3A_51 = tpu.sem_alloc : memref<!tpu.dma_semaphore, #tpu.memory_space<semaphore_mem>>
      %dma_start3A_52 = arith.constant 0 : i32
      %dma_start3A_53 = tpu.memref_slice %arg4[%add3A_25, %dma_start3A_52] : memref<2560x128xi32, #tpu.memory_space<hbm>> -> memref<80x128xi32, #tpu.memory_space<hbm>>
      %dma_start3A_54 = arith.constant 0 : i32
      %dma_start3A_55 = tpu.memref_slice %arg4[%add3A_25, %dma_start3A_54] : memref<2560x128xi32, #tpu.memory_space<hbm>> -> memref<80x128xi32, #tpu.memory_space<hbm>>
      tpu.enqueue_dma source(%dma_start3A_55 : memref<80x128xi32, #tpu.memory_space<hbm>>) target(%arg9 : memref<80x128xi32, #tpu.memory_space<vmem>>) target_semaphore(%run_scoped3A_51 : memref<!tpu.dma_semaphore, #tpu.memory_space<semaphore_mem>>)
      %dma_wait3A_56 = arith.constant 0 : i32
      %dma_wait3A_57 = tpu.memref_slice %arg4[%add3A_25, %dma_wait3A_56] : memref<2560x128xi32, #tpu.memory_space<hbm>> -> memref<80x128xi32, #tpu.memory_space<hbm>>
      %dma_wait3A_58 = arith.constant 0 : i32
      %dma_wait3A_59 = tpu.memref_slice %arg4[%add3A_25, %dma_wait3A_58] : memref<2560x128xi32, #tpu.memory_space<hbm>> -> memref<80x128xi32, #tpu.memory_space<hbm>>
      tpu.wait_dma2 semaphore(%run_scoped3A_51 : memref<!tpu.dma_semaphore, #tpu.memory_space<semaphore_mem>>) src(%dma_wait3A_59 : memref<80x128xi32, #tpu.memory_space<hbm>>) dst(%arg9 : memref<80x128xi32, #tpu.memory_space<vmem>>)
      tpu.yield
    }) : () -> ()
    %barrier3A = arith.constant 0 : index
    tpu.barrier barrier_id(%barrier3A)
    %mul3A_26 = arith.constant 10240 : i32
    %mul3A_27 = arith.muli %add3A, %mul3A_26 : i32
    %add3A_28 = arith.constant 0 : i32
    %add3A_29 = arith.addi %mul3A_27, %add3A_28 : i32
    "tpu.region"() ({
      %run_scoped3A_51 = tpu.sem_alloc : memref<!tpu.dma_semaphore, #tpu.memory_space<semaphore_mem>>
      %dma_start3A_52 = tpu.memref_slice %arg3[%add3A_29] : memref<327680xi32, #tpu.memory_space<hbm>> -> memref<128xi32, #tpu.memory_space<hbm>>
      %dma_start3A_53 = tpu.memref_slice %arg3[%add3A_29] : memref<327680xi32, #tpu.memory_space<hbm>> -> memref<128xi32, #tpu.memory_space<hbm>>
      tpu.enqueue_dma source(%dma_start3A_53 : memref<128xi32, #tpu.memory_space<hbm>>) target(%arg7 : memref<128xi32, #tpu.memory_space<vmem>>) target_semaphore(%run_scoped3A_51 : memref<!tpu.dma_semaphore, #tpu.memory_space<semaphore_mem>>)
      %dma_wait3A_54 = tpu.memref_slice %arg3[%add3A_29] : memref<327680xi32, #tpu.memory_space<hbm>> -> memref<128xi32, #tpu.memory_space<hbm>>
      %dma_wait3A_55 = tpu.memref_slice %arg3[%add3A_29] : memref<327680xi32, #tpu.memory_space<hbm>> -> memref<128xi32, #tpu.memory_space<hbm>>
      tpu.wait_dma2 semaphore(%run_scoped3A_51 : memref<!tpu.dma_semaphore, #tpu.memory_space<semaphore_mem>>) src(%dma_wait3A_55 : memref<128xi32, #tpu.memory_space<hbm>>) dst(%arg7 : memref<128xi32, #tpu.memory_space<vmem>>)
      tpu.yield
    }) : () -> ()
    %dma_start3A = arith.constant 0 : i32
    %dma_start3A_30 = arith.constant 0 : i32
    %dma_start3A_31 = tpu.memref_slice %arg2[%dma_start3A, %dma_start3A_30] : memref<10000x128xf32, #tpu.memory_space<hbm>> -> memref<10000x128xf32, #tpu.memory_space<hbm>>
    tpu.enqueue_indirect_dma source(%dma_start3A_31 : memref<10000x128xf32, #tpu.memory_space<hbm>>) target(%arg10 : memref<128x128xf32, #tpu.memory_space<vmem>>) offsets(%arg7 : memref<128xi32, #tpu.memory_space<vmem>>) semaphore(%arg13 : memref<!tpu.dma_semaphore, #tpu.memory_space<semaphore_mem>>)
    %add3A_32 = arith.constant 128 : i32
    %add3A_33 = arith.addi %mul3A_27, %add3A_32 : i32
    "tpu.region"() ({
      %run_scoped3A_51 = tpu.sem_alloc : memref<!tpu.dma_semaphore, #tpu.memory_space<semaphore_mem>>
      %dma_start3A_52 = tpu.memref_slice %arg3[%add3A_33] : memref<327680xi32, #tpu.memory_space<hbm>> -> memref<128xi32, #tpu.memory_space<hbm>>
      %dma_start3A_53 = tpu.memref_slice %arg3[%add3A_33] : memref<327680xi32, #tpu.memory_space<hbm>> -> memref<128xi32, #tpu.memory_space<hbm>>
      tpu.enqueue_dma source(%dma_start3A_53 : memref<128xi32, #tpu.memory_space<hbm>>) target(%arg8 : memref<128xi32, #tpu.memory_space<vmem>>) target_semaphore(%run_scoped3A_51 : memref<!tpu.dma_semaphore, #tpu.memory_space<semaphore_mem>>)
      %dma_wait3A_54 = tpu.memref_slice %arg3[%add3A_33] : memref<327680xi32, #tpu.memory_space<hbm>> -> memref<128xi32, #tpu.memory_space<hbm>>
      %dma_wait3A_55 = tpu.memref_slice %arg3[%add3A_33] : memref<327680xi32, #tpu.memory_space<hbm>> -> memref<128xi32, #tpu.memory_space<hbm>>
      tpu.wait_dma2 semaphore(%run_scoped3A_51 : memref<!tpu.dma_semaphore, #tpu.memory_space<semaphore_mem>>) src(%dma_wait3A_55 : memref<128xi32, #tpu.memory_space<hbm>>) dst(%arg8 : memref<128xi32, #tpu.memory_space<vmem>>)
      tpu.yield
    }) : () -> ()
    %dma_start3A_34 = arith.constant 0 : i32
    %dma_start3A_35 = arith.constant 0 : i32
    %dma_start3A_36 = tpu.memref_slice %arg2[%dma_start3A_34, %dma_start3A_35] : memref<10000x128xf32, #tpu.memory_space<hbm>> -> memref<10000x128xf32, #tpu.memory_space<hbm>>
    tpu.enqueue_indirect_dma source(%dma_start3A_36 : memref<10000x128xf32, #tpu.memory_space<hbm>>) target(%arg11 : memref<128x128xf32, #tpu.memory_space<vmem>>) offsets(%arg8 : memref<128xi32, #tpu.memory_space<vmem>>) semaphore(%arg14 : memref<!tpu.dma_semaphore, #tpu.memory_space<semaphore_mem>>)
    %scan3A = arith.constant 0 : i32
    %scan3A_37 = arith.constant 0 : i32
    %scan3A_38 = arith.constant 39 : i32
    %scan3A_39 = arith.addi %scan3A_37, %scan3A_38 : i32
    %scan3A_40 = arith.constant 1 : i32
    scf.for %scan3A_51 = %scan3A_37 to %scan3A_39 step %scan3A_40  : i32 {
      %mul3A_52 = arith.constant 2 : i32
      %mul3A_53 = arith.muli %mul3A_52, %scan3A_51 : i32
      %dma_wait3A_54 = arith.constant 0 : i32
      %dma_wait3A_55 = arith.constant 0 : i32
      %dma_wait3A_56 = tpu.memref_slice %arg2[%dma_wait3A_54, %dma_wait3A_55] : memref<10000x128xf32, #tpu.memory_space<hbm>> -> memref<10000x128xf32, #tpu.memory_space<hbm>>
      tpu.wait_indirect_dma semaphore(%arg13 : memref<!tpu.dma_semaphore, #tpu.memory_space<semaphore_mem>>) src(%dma_wait3A_56 : memref<10000x128xf32, #tpu.memory_space<hbm>>) dst(%arg10 : memref<128x128xf32, #tpu.memory_space<vmem>>)
      "tpu.region"() ({
        %run_scoped3A_84 = tpu.sem_alloc : memref<!tpu.dma_semaphore, #tpu.memory_space<semaphore_mem>>
        %dma_start3A_85 = arith.constant 0 : i32
        %dma_start3A_86 = tpu.memref_slice %arg9[%mul3A_53, %dma_start3A_85] : memref<80x128xi32, #tpu.memory_space<vmem>> -> memref<1x128xi32, #tpu.memory_space<vmem>>
        %dma_start3A_87 = tpu.memref_squeeze %dma_start3A_86 : memref<1x128xi32, #tpu.memory_space<vmem>> -> memref<128xi32, #tpu.memory_space<vmem>>
        %dma_start3A_88 = arith.constant 0 : i32
        %dma_start3A_89 = arith.constant 0 : i32
        %dma_start3A_90 = tpu.memref_slice %arg12[%dma_start3A_88, %dma_start3A_89] : memref<10240x128xf32, #tpu.memory_space<vmem_shared>> -> memref<10240x128xf32, #tpu.memory_space<vmem_shared>>
        tpu.enqueue_indirect_dma source(%arg10 : memref<128x128xf32, #tpu.memory_space<vmem>>) target(%dma_start3A_90 : memref<10240x128xf32, #tpu.memory_space<vmem_shared>>) offsets(%dma_start3A_87 : memref<128xi32, #tpu.memory_space<vmem>>) semaphore(%run_scoped3A_84 : memref<!tpu.dma_semaphore, #tpu.memory_space<semaphore_mem>>) {add = true}
        %dma_wait3A_91 = arith.constant 0 : i32
        %dma_wait3A_92 = tpu.memref_slice %arg9[%mul3A_53, %dma_wait3A_91] : memref<80x128xi32, #tpu.memory_space<vmem>> -> memref<1x128xi32, #tpu.memory_space<vmem>>
        %dma_wait3A_93 = tpu.memref_squeeze %dma_wait3A_92 : memref<1x128xi32, #tpu.memory_space<vmem>> -> memref<128xi32, #tpu.memory_space<vmem>>
        %dma_wait3A_94 = arith.constant 0 : i32
        %dma_wait3A_95 = arith.constant 0 : i32
        %dma_wait3A_96 = tpu.memref_slice %arg12[%dma_wait3A_94, %dma_wait3A_95] : memref<10240x128xf32, #tpu.memory_space<vmem_shared>> -> memref<10240x128xf32, #tpu.memory_space<vmem_shared>>
        tpu.wait_indirect_dma semaphore(%run_scoped3A_84 : memref<!tpu.dma_semaphore, #tpu.memory_space<semaphore_mem>>) src(%arg10 : memref<128x128xf32, #tpu.memory_space<vmem>>) dst(%dma_wait3A_96 : memref<10240x128xf32, #tpu.memory_space<vmem_shared>>)
        tpu.yield
      }) : () -> ()
      %mul3A_57 = arith.constant 2 : i32
      %mul3A_58 = arith.muli %mul3A_57, %scan3A_51 : i32
      %add3A_59 = arith.constant 2 : i32
      %add3A_60 = arith.addi %mul3A_58, %add3A_59 : i32
      %mul3A_61 = arith.constant 128 : i32
      %mul3A_62 = arith.muli %add3A_60, %mul3A_61 : i32
      %add3A_63 = arith.addi %mul3A_27, %mul3A_62 : i32
      "tpu.region"() ({
        %run_scoped3A_84 = tpu.sem_alloc : memref<!tpu.dma_semaphore, #tpu.memory_space<semaphore_mem>>
        %dma_start3A_85 = tpu.memref_slice %arg3[%add3A_63] : memref<327680xi32, #tpu.memory_space<hbm>> -> memref<128xi32, #tpu.memory_space<hbm>>
        %dma_start3A_86 = tpu.memref_slice %arg3[%add3A_63] : memref<327680xi32, #tpu.memory_space<hbm>> -> memref<128xi32, #tpu.memory_space<hbm>>
        tpu.enqueue_dma source(%dma_start3A_86 : memref<128xi32, #tpu.memory_space<hbm>>) target(%arg7 : memref<128xi32, #tpu.memory_space<vmem>>) target_semaphore(%run_scoped3A_84 : memref<!tpu.dma_semaphore, #tpu.memory_space<semaphore_mem>>)
        %dma_wait3A_87 = tpu.memref_slice %arg3[%add3A_63] : memref<327680xi32, #tpu.memory_space<hbm>> -> memref<128xi32, #tpu.memory_space<hbm>>
        %dma_wait3A_88 = tpu.memref_slice %arg3[%add3A_63] : memref<327680xi32, #tpu.memory_space<hbm>> -> memref<128xi32, #tpu.memory_space<hbm>>
        tpu.wait_dma2 semaphore(%run_scoped3A_84 : memref<!tpu.dma_semaphore, #tpu.memory_space<semaphore_mem>>) src(%dma_wait3A_88 : memref<128xi32, #tpu.memory_space<hbm>>) dst(%arg7 : memref<128xi32, #tpu.memory_space<vmem>>)
        tpu.yield
      }) : () -> ()
      %dma_start3A_64 = arith.constant 0 : i32
      %dma_start3A_65 = arith.constant 0 : i32
      %dma_start3A_66 = tpu.memref_slice %arg2[%dma_start3A_64, %dma_start3A_65] : memref<10000x128xf32, #tpu.memory_space<hbm>> -> memref<10000x128xf32, #tpu.memory_space<hbm>>
      tpu.enqueue_indirect_dma source(%dma_start3A_66 : memref<10000x128xf32, #tpu.memory_space<hbm>>) target(%arg10 : memref<128x128xf32, #tpu.memory_space<vmem>>) offsets(%arg7 : memref<128xi32, #tpu.memory_space<vmem>>) semaphore(%arg13 : memref<!tpu.dma_semaphore, #tpu.memory_space<semaphore_mem>>)
      %mul3A_67 = arith.constant 2 : i32
      %mul3A_68 = arith.muli %mul3A_67, %scan3A_51 : i32
      %add3A_69 = arith.constant 1 : i32
      %add3A_70 = arith.addi %mul3A_68, %add3A_69 : i32
      %dma_wait3A_71 = arith.constant 0 : i32
      %dma_wait3A_72 = arith.constant 0 : i32
      %dma_wait3A_73 = tpu.memref_slice %arg2[%dma_wait3A_71, %dma_wait3A_72] : memref<10000x128xf32, #tpu.memory_space<hbm>> -> memref<10000x128xf32, #tpu.memory_space<hbm>>
      tpu.wait_indirect_dma semaphore(%arg14 : memref<!tpu.dma_semaphore, #tpu.memory_space<semaphore_mem>>) src(%dma_wait3A_73 : memref<10000x128xf32, #tpu.memory_space<hbm>>) dst(%arg11 : memref<128x128xf32, #tpu.memory_space<vmem>>)
      "tpu.region"() ({
        %run_scoped3A_84 = tpu.sem_alloc : memref<!tpu.dma_semaphore, #tpu.memory_space<semaphore_mem>>
        %dma_start3A_85 = arith.constant 0 : i32
        %dma_start3A_86 = tpu.memref_slice %arg9[%add3A_70, %dma_start3A_85] : memref<80x128xi32, #tpu.memory_space<vmem>> -> memref<1x128xi32, #tpu.memory_space<vmem>>
        %dma_start3A_87 = tpu.memref_squeeze %dma_start3A_86 : memref<1x128xi32, #tpu.memory_space<vmem>> -> memref<128xi32, #tpu.memory_space<vmem>>
        %dma_start3A_88 = arith.constant 0 : i32
        %dma_start3A_89 = arith.constant 0 : i32
        %dma_start3A_90 = tpu.memref_slice %arg12[%dma_start3A_88, %dma_start3A_89] : memref<10240x128xf32, #tpu.memory_space<vmem_shared>> -> memref<10240x128xf32, #tpu.memory_space<vmem_shared>>
        tpu.enqueue_indirect_dma source(%arg11 : memref<128x128xf32, #tpu.memory_space<vmem>>) target(%dma_start3A_90 : memref<10240x128xf32, #tpu.memory_space<vmem_shared>>) offsets(%dma_start3A_87 : memref<128xi32, #tpu.memory_space<vmem>>) semaphore(%run_scoped3A_84 : memref<!tpu.dma_semaphore, #tpu.memory_space<semaphore_mem>>) {add = true}
        %dma_wait3A_91 = arith.constant 0 : i32
        %dma_wait3A_92 = tpu.memref_slice %arg9[%add3A_70, %dma_wait3A_91] : memref<80x128xi32, #tpu.memory_space<vmem>> -> memref<1x128xi32, #tpu.memory_space<vmem>>
        %dma_wait3A_93 = tpu.memref_squeeze %dma_wait3A_92 : memref<1x128xi32, #tpu.memory_space<vmem>> -> memref<128xi32, #tpu.memory_space<vmem>>
        %dma_wait3A_94 = arith.constant 0 : i32
        %dma_wait3A_95 = arith.constant 0 : i32
        %dma_wait3A_96 = tpu.memref_slice %arg12[%dma_wait3A_94, %dma_wait3A_95] : memref<10240x128xf32, #tpu.memory_space<vmem_shared>> -> memref<10240x128xf32, #tpu.memory_space<vmem_shared>>
        tpu.wait_indirect_dma semaphore(%run_scoped3A_84 : memref<!tpu.dma_semaphore, #tpu.memory_space<semaphore_mem>>) src(%arg11 : memref<128x128xf32, #tpu.memory_space<vmem>>) dst(%dma_wait3A_96 : memref<10240x128xf32, #tpu.memory_space<vmem_shared>>)
        tpu.yield
      }) : () -> ()
      %mul3A_74 = arith.constant 2 : i32
      %mul3A_75 = arith.muli %mul3A_74, %scan3A_51 : i32
      %add3A_76 = arith.constant 3 : i32
      %add3A_77 = arith.addi %mul3A_75, %add3A_76 : i32
      %mul3A_78 = arith.constant 128 : i32
      %mul3A_79 = arith.muli %add3A_77, %mul3A_78 : i32
      %add3A_80 = arith.addi %mul3A_27, %mul3A_79 : i32
      "tpu.region"() ({
        %run_scoped3A_84 = tpu.sem_alloc : memref<!tpu.dma_semaphore, #tpu.memory_space<semaphore_mem>>
        %dma_start3A_85 = tpu.memref_slice %arg3[%add3A_80] : memref<327680xi32, #tpu.memory_space<hbm>> -> memref<128xi32, #tpu.memory_space<hbm>>
        %dma_start3A_86 = tpu.memref_slice %arg3[%add3A_80] : memref<327680xi32, #tpu.memory_space<hbm>> -> memref<128xi32, #tpu.memory_space<hbm>>
        tpu.enqueue_dma source(%dma_start3A_86 : memref<128xi32, #tpu.memory_space<hbm>>) target(%arg8 : memref<128xi32, #tpu.memory_space<vmem>>) target_semaphore(%run_scoped3A_84 : memref<!tpu.dma_semaphore, #tpu.memory_space<semaphore_mem>>)
        %dma_wait3A_87 = tpu.memref_slice %arg3[%add3A_80] : memref<327680xi32, #tpu.memory_space<hbm>> -> memref<128xi32, #tpu.memory_space<hbm>>
        %dma_wait3A_88 = tpu.memref_slice %arg3[%add3A_80] : memref<327680xi32, #tpu.memory_space<hbm>> -> memref<128xi32, #tpu.memory_space<hbm>>
        tpu.wait_dma2 semaphore(%run_scoped3A_84 : memref<!tpu.dma_semaphore, #tpu.memory_space<semaphore_mem>>) src(%dma_wait3A_88 : memref<128xi32, #tpu.memory_space<hbm>>) dst(%arg8 : memref<128xi32, #tpu.memory_space<vmem>>)
        tpu.yield
      }) : () -> ()
      %dma_start3A_81 = arith.constant 0 : i32
      %dma_start3A_82 = arith.constant 0 : i32
      %dma_start3A_83 = tpu.memref_slice %arg2[%dma_start3A_81, %dma_start3A_82] : memref<10000x128xf32, #tpu.memory_space<hbm>> -> memref<10000x128xf32, #tpu.memory_space<hbm>>
      tpu.enqueue_indirect_dma source(%dma_start3A_83 : memref<10000x128xf32, #tpu.memory_space<hbm>>) target(%arg11 : memref<128x128xf32, #tpu.memory_space<vmem>>) offsets(%arg8 : memref<128xi32, #tpu.memory_space<vmem>>) semaphore(%arg14 : memref<!tpu.dma_semaphore, #tpu.memory_space<semaphore_mem>>)
    }
    %scan3A_41 = arith.constant 39 : i32
    %dma_wait3A = arith.constant 0 : i32
    %dma_wait3A_42 = arith.constant 0 : i32
    %dma_wait3A_43 = tpu.memref_slice %arg2[%dma_wait3A, %dma_wait3A_42] : memref<10000x128xf32, #tpu.memory_space<hbm>> -> memref<10000x128xf32, #tpu.memory_space<hbm>>
    tpu.wait_indirect_dma semaphore(%arg13 : memref<!tpu.dma_semaphore, #tpu.memory_space<semaphore_mem>>) src(%dma_wait3A_43 : memref<10000x128xf32, #tpu.memory_space<hbm>>) dst(%arg10 : memref<128x128xf32, #tpu.memory_space<vmem>>)
    %run_scoped3A = arith.constant 78 : i32
    "tpu.region"() ({
      %run_scoped3A_51 = tpu.sem_alloc : memref<!tpu.dma_semaphore, #tpu.memory_space<semaphore_mem>>
      %dma_start3A_52 = arith.constant 0 : i32
      %dma_start3A_53 = tpu.memref_slice %arg9[%run_scoped3A, %dma_start3A_52] : memref<80x128xi32, #tpu.memory_space<vmem>> -> memref<1x128xi32, #tpu.memory_space<vmem>>
      %dma_start3A_54 = tpu.memref_squeeze %dma_start3A_53 : memref<1x128xi32, #tpu.memory_space<vmem>> -> memref<128xi32, #tpu.memory_space<vmem>>
      %dma_start3A_55 = arith.constant 0 : i32
      %dma_start3A_56 = arith.constant 0 : i32
      %dma_start3A_57 = tpu.memref_slice %arg12[%dma_start3A_55, %dma_start3A_56] : memref<10240x128xf32, #tpu.memory_space<vmem_shared>> -> memref<10240x128xf32, #tpu.memory_space<vmem_shared>>
      tpu.enqueue_indirect_dma source(%arg10 : memref<128x128xf32, #tpu.memory_space<vmem>>) target(%dma_start3A_57 : memref<10240x128xf32, #tpu.memory_space<vmem_shared>>) offsets(%dma_start3A_54 : memref<128xi32, #tpu.memory_space<vmem>>) semaphore(%run_scoped3A_51 : memref<!tpu.dma_semaphore, #tpu.memory_space<semaphore_mem>>) {add = true}
      %dma_wait3A_58 = arith.constant 0 : i32
      %dma_wait3A_59 = tpu.memref_slice %arg9[%run_scoped3A, %dma_wait3A_58] : memref<80x128xi32, #tpu.memory_space<vmem>> -> memref<1x128xi32, #tpu.memory_space<vmem>>
      %dma_wait3A_60 = tpu.memref_squeeze %dma_wait3A_59 : memref<1x128xi32, #tpu.memory_space<vmem>> -> memref<128xi32, #tpu.memory_space<vmem>>
      %dma_wait3A_61 = arith.constant 0 : i32
      %dma_wait3A_62 = arith.constant 0 : i32
      %dma_wait3A_63 = tpu.memref_slice %arg12[%dma_wait3A_61, %dma_wait3A_62] : memref<10240x128xf32, #tpu.memory_space<vmem_shared>> -> memref<10240x128xf32, #tpu.memory_space<vmem_shared>>
      tpu.wait_indirect_dma semaphore(%run_scoped3A_51 : memref<!tpu.dma_semaphore, #tpu.memory_space<semaphore_mem>>) src(%arg10 : memref<128x128xf32, #tpu.memory_space<vmem>>) dst(%dma_wait3A_63 : memref<10240x128xf32, #tpu.memory_space<vmem_shared>>)
      tpu.yield
    }) : () -> ()
    %dma_wait3A_44 = arith.constant 0 : i32
    %dma_wait3A_45 = arith.constant 0 : i32
    %dma_wait3A_46 = tpu.memref_slice %arg2[%dma_wait3A_44, %dma_wait3A_45] : memref<10000x128xf32, #tpu.memory_space<hbm>> -> memref<10000x128xf32, #tpu.memory_space<hbm>>
    tpu.wait_indirect_dma semaphore(%arg14 : memref<!tpu.dma_semaphore, #tpu.memory_space<semaphore_mem>>) src(%dma_wait3A_46 : memref<10000x128xf32, #tpu.memory_space<hbm>>) dst(%arg11 : memref<128x128xf32, #tpu.memory_space<vmem>>)
    %run_scoped3A_47 = arith.constant 79 : i32
    "tpu.region"() ({
      %run_scoped3A_51 = tpu.sem_alloc : memref<!tpu.dma_semaphore, #tpu.memory_space<semaphore_mem>>
      %dma_start3A_52 = arith.constant 0 : i32
      %dma_start3A_53 = tpu.memref_slice %arg9[%run_scoped3A_47, %dma_start3A_52] : memref<80x128xi32, #tpu.memory_space<vmem>> -> memref<1x128xi32, #tpu.memory_space<vmem>>
      %dma_start3A_54 = tpu.memref_squeeze %dma_start3A_53 : memref<1x128xi32, #tpu.memory_space<vmem>> -> memref<128xi32, #tpu.memory_space<vmem>>
      %dma_start3A_55 = arith.constant 0 : i32
      %dma_start3A_56 = arith.constant 0 : i32
      %dma_start3A_57 = tpu.memref_slice %arg12[%dma_start3A_55, %dma_start3A_56] : memref<10240x128xf32, #tpu.memory_space<vmem_shared>> -> memref<10240x128xf32, #tpu.memory_space<vmem_shared>>
      tpu.enqueue_indirect_dma source(%arg11 : memref<128x128xf32, #tpu.memory_space<vmem>>) target(%dma_start3A_57 : memref<10240x128xf32, #tpu.memory_space<vmem_shared>>) offsets(%dma_start3A_54 : memref<128xi32, #tpu.memory_space<vmem>>) semaphore(%run_scoped3A_51 : memref<!tpu.dma_semaphore, #tpu.memory_space<semaphore_mem>>) {add = true}
      %dma_wait3A_58 = arith.constant 0 : i32
      %dma_wait3A_59 = tpu.memref_slice %arg9[%run_scoped3A_47, %dma_wait3A_58] : memref<80x128xi32, #tpu.memory_space<vmem>> -> memref<1x128xi32, #tpu.memory_space<vmem>>
      %dma_wait3A_60 = tpu.memref_squeeze %dma_wait3A_59 : memref<1x128xi32, #tpu.memory_space<vmem>> -> memref<128xi32, #tpu.memory_space<vmem>>
      %dma_wait3A_61 = arith.constant 0 : i32
      %dma_wait3A_62 = arith.constant 0 : i32
      %dma_wait3A_63 = tpu.memref_slice %arg12[%dma_wait3A_61, %dma_wait3A_62] : memref<10240x128xf32, #tpu.memory_space<vmem_shared>> -> memref<10240x128xf32, #tpu.memory_space<vmem_shared>>
      tpu.wait_indirect_dma semaphore(%run_scoped3A_51 : memref<!tpu.dma_semaphore, #tpu.memory_space<semaphore_mem>>) src(%arg11 : memref<128x128xf32, #tpu.memory_space<vmem>>) dst(%dma_wait3A_63 : memref<10240x128xf32, #tpu.memory_space<vmem_shared>>)
      tpu.yield
    }) : () -> ()
    %barrier3A_48 = arith.constant 0 : index
    tpu.barrier barrier_id(%barrier3A_48)
    %mul3A_49 = arith.constant 640 : i32
    %mul3A_50 = arith.muli %arg1, %mul3A_49 : i32
    "tpu.region"() ({
      %run_scoped3A_51 = tpu.sem_alloc : memref<!tpu.dma_semaphore, #tpu.memory_space<semaphore_mem>>
      %dma_start3A_52 = arith.constant 0 : i32
      %dma_start3A_53 = tpu.memref_slice %arg6[%arg0, %mul3A_50, %dma_start3A_52] : memref<2x10240x128xf32, #tpu.memory_space<hbm>> -> memref<1x640x128xf32, #tpu.memory_space<hbm>>
      %dma_start3A_54 = tpu.memref_squeeze %dma_start3A_53 : memref<1x640x128xf32, #tpu.memory_space<hbm>> -> memref<640x128xf32, #tpu.memory_space<hbm>>
      %dma_start3A_55 = arith.constant 0 : i32
      %dma_start3A_56 = tpu.memref_slice %arg12[%mul3A_50, %dma_start3A_55] : memref<10240x128xf32, #tpu.memory_space<vmem_shared>> -> memref<640x128xf32, #tpu.memory_space<vmem_shared>>
      tpu.enqueue_dma source(%dma_start3A_56 : memref<640x128xf32, #tpu.memory_space<vmem_shared>>) target(%dma_start3A_54 : memref<640x128xf32, #tpu.memory_space<hbm>>) target_semaphore(%run_scoped3A_51 : memref<!tpu.dma_semaphore, #tpu.memory_space<semaphore_mem>>)
      %dma_wait3A_57 = arith.constant 0 : i32
      %dma_wait3A_58 = tpu.memref_slice %arg6[%arg0, %mul3A_50, %dma_wait3A_57] : memref<2x10240x128xf32, #tpu.memory_space<hbm>> -> memref<1x640x128xf32, #tpu.memory_space<hbm>>
      %dma_wait3A_59 = tpu.memref_squeeze %dma_wait3A_58 : memref<1x640x128xf32, #tpu.memory_space<hbm>> -> memref<640x128xf32, #tpu.memory_space<hbm>>
      %dma_wait3A_60 = arith.constant 0 : i32
      %dma_wait3A_61 = tpu.memref_slice %arg12[%mul3A_50, %dma_wait3A_60] : memref<10240x128xf32, #tpu.memory_space<vmem_shared>> -> memref<640x128xf32, #tpu.memory_space<vmem_shared>>
      tpu.wait_dma2 semaphore(%run_scoped3A_51 : memref<!tpu.dma_semaphore, #tpu.memory_space<semaphore_mem>>) src(%dma_wait3A_61 : memref<640x128xf32, #tpu.memory_space<vmem_shared>>) dst(%dma_wait3A_59 : memref<640x128xf32, #tpu.memory_space<hbm>>)
      tpu.yield
    }) : () -> ()
    return
  }
}

module attributes {stable_mosaic.version = 14 : i64} {
  func.func @_p1_body(%arg0: i32, %arg1: memref<400x128xf32, #tpu.memory_space<vmem>>, %arg2: memref<128x128xf32, #tpu.memory_space<vmem>>, %arg3: memref<400x1xf32, #tpu.memory_space<vmem>>, %arg4: memref<400x1xf32, #tpu.memory_space<vmem>>, %arg5: memref<400x128xf32, #tpu.memory_space<vmem>>) attributes {dimension_semantics = [#tpu.dimension_semantics<arbitrary>], iteration_bounds = array<i64: 25>, scalar_prefetch = 0 : i64, scratch_operands = 0 : i64, tpu.core_type = #tpu.core_type<tc>, window_params = [{transform_indices = @transform_0, window_bounds = array<i64: 400, 128>}, {pipeline_mode = #tpu.pipeline_mode<synchronous>, transform_indices = @transform_1, window_bounds = array<i64: 128, 128>}, {transform_indices = @transform_2, window_bounds = array<i64: 400, 1>}, {transform_indices = @transform_3, window_bounds = array<i64: 400, 1>}, {transform_indices = @transform_4, window_bounds = array<i64: 400, 128>}]} {
    %get3A = arith.constant 0 : index
    %get3A_0 = arith.constant 0 : index
    %get3A_1 = vector.load %arg3[%get3A, %get3A_0] : memref<400x1xf32, #tpu.memory_space<vmem>>, vector<400x1xf32>
    %get3A_2 = arith.constant 0 : index
    %get3A_3 = arith.constant 0 : index
    %get3A_4 = vector.load %arg4[%get3A_2, %get3A_3] : memref<400x1xf32, #tpu.memory_space<vmem>>, vector<400x1xf32>
    %add3A = arith.addf %get3A_1, %get3A_4 : vector<400x1xf32>
    %add3A_5 = arith.constant 1.000000e+00 : f32
    %add3A_6 = vector.broadcast %add3A_5 : f32 to vector<400x1xf32>
    %add3A_7 = arith.addf %add3A, %add3A_6 : vector<400x1xf32>
    %rsqrt3A = math.rsqrt %add3A_7 : vector<400x1xf32>
    %get3A_8 = arith.constant 0 : index
    %get3A_9 = arith.constant 0 : index
    %get3A_10 = vector.load %arg1[%get3A_8, %get3A_9] : memref<400x128xf32, #tpu.memory_space<vmem>>, vector<400x128xf32>
    %get3A_11 = arith.constant 0 : index
    %get3A_12 = arith.constant 0 : index
    %get3A_13 = vector.load %arg2[%get3A_11, %get3A_12] : memref<128x128xf32, #tpu.memory_space<vmem>>, vector<128x128xf32>
    %dot_general3A = arith.constant dense<0.000000e+00> : vector<400x128xf32>
    %dot_general3A_14 = tpu.matmul %get3A_10, %get3A_13, %dot_general3A {dimension_numbers = #tpu.dot_dimension_numbers<[1], [0], [0], [1], [0, 0, 1, 1], [], []>, transpose_lhs_hint = false} : vector<400x128xf32>, vector<128x128xf32>, vector<400x128xf32> -> vector<400x128xf32>
    %mul3A = vector.broadcast %rsqrt3A : vector<400x1xf32> to vector<400x128xf32>
    %mul3A_15 = arith.mulf %dot_general3A_14, %mul3A : vector<400x128xf32>
    %swap3A = arith.constant 0 : index
    %swap3A_16 = arith.constant 0 : index
    %swap3A_17 = vector.load %arg5[%swap3A, %swap3A_16] : memref<400x128xf32, #tpu.memory_space<vmem>>, vector<400x128xf32>
    tpu.vector_store %arg5[%swap3A, %swap3A_16], %mul3A_15 {strides = array<i32>} : memref<400x128xf32, #tpu.memory_space<vmem>>, vector<400x128xf32>,
    return
  }
  func.func @transform_0(%arg0: i32) -> (i32, i32) {
    %c0_i32 = arith.constant 0 : i32
    %c0_i32_0 = arith.constant 0 : i32
    return %arg0, %c0_i32 : i32, i32
  }
  func.func @transform_1(%arg0: i32) -> (i32, i32) {
    %c0_i32 = arith.constant 0 : i32
    %c0_i32_0 = arith.constant 0 : i32
    %c0_i32_1 = arith.constant 0 : i32
    return %c0_i32, %c0_i32_0 : i32, i32
  }
  func.func @transform_2(%arg0: i32) -> (i32, i32) {
    %c0_i32 = arith.constant 0 : i32
    %c0_i32_0 = arith.constant 0 : i32
    return %arg0, %c0_i32 : i32, i32
  }
  func.func @transform_3(%arg0: i32) -> (i32, i32) {
    %add3A = arith.constant 128 : i32
    %add3A_0 = arith.addi %arg0, %add3A : i32
    %c0_i32 = arith.constant 0 : i32
    %c0_i32_1 = arith.constant 0 : i32
    return %add3A_0, %c0_i32 : i32, i32
  }
  func.func @transform_4(%arg0: i32) -> (i32, i32) {
    %c0_i32 = arith.constant 0 : i32
    %c0_i32_0 = arith.constant 0 : i32
    return %arg0, %c0_i32 : i32, i32
  }
}

module attributes {stable_mosaic.version = 14 : i64} {
  func.func @_p2_body(%arg0: i32, %arg1: memref<1x400x128xf32, #tpu.memory_space<vmem>>, %arg2: memref<1x400x128xf32, #tpu.memory_space<vmem>>, %arg3: memref<400x128xf32, #tpu.memory_space<vmem>>, %arg4: memref<400x1xf32, #tpu.memory_space<vmem>>, %arg5: memref<400x1xf32, #tpu.memory_space<vmem>>, %arg6: memref<1x128xf32, #tpu.memory_space<vmem>>, %arg7: memref<128x128xf32, #tpu.memory_space<vmem>>, %arg8: memref<400x128xf32, #tpu.memory_space<vmem>>) attributes {dimension_semantics = [#tpu.dimension_semantics<arbitrary>], iteration_bounds = array<i64: 25>, scalar_prefetch = 0 : i64, scratch_operands = 0 : i64, tpu.core_type = #tpu.core_type<tc>, window_params = [{transform_indices = @transform_0, window_bounds = array<i64: 1, 400, 128>}, {transform_indices = @transform_1, window_bounds = array<i64: 1, 400, 128>}, {transform_indices = @transform_2, window_bounds = array<i64: 400, 128>}, {transform_indices = @transform_3, window_bounds = array<i64: 400, 1>}, {transform_indices = @transform_4, window_bounds = array<i64: 400, 1>}, {pipeline_mode = #tpu.pipeline_mode<synchronous>, transform_indices = @transform_5, window_bounds = array<i64: 1, 128>}, {pipeline_mode = #tpu.pipeline_mode<synchronous>, transform_indices = @transform_6, window_bounds = array<i64: 128, 128>}, {transform_indices = @transform_7, window_bounds = array<i64: 400, 128>}]} {
    %get3A = arith.constant 0 : index
    %get3A_0 = arith.constant 0 : index
    %get3A_1 = vector.load %arg4[%get3A, %get3A_0] : memref<400x1xf32, #tpu.memory_space<vmem>>, vector<400x1xf32>
    %get3A_2 = arith.constant 0 : index
    %get3A_3 = arith.constant 0 : index
    %get3A_4 = vector.load %arg5[%get3A_2, %get3A_3] : memref<400x1xf32, #tpu.memory_space<vmem>>, vector<400x1xf32>
    %add3A = arith.addf %get3A_1, %get3A_4 : vector<400x1xf32>
    %add3A_5 = arith.constant 1.000000e+00 : f32
    %add3A_6 = vector.broadcast %add3A_5 : f32 to vector<400x1xf32>
    %add3A_7 = arith.addf %add3A, %add3A_6 : vector<400x1xf32>
    %rsqrt3A = math.rsqrt %add3A_7 : vector<400x1xf32>
    %get3A_8 = arith.constant 0 : index
    %get3A_9 = arith.constant 0 : index
    %get3A_10 = arith.constant 0 : index
    %get3A_11 = vector.load %arg1[%get3A_8, %get3A_9, %get3A_10] : memref<1x400x128xf32, #tpu.memory_space<vmem>>, vector<1x400x128xf32>
    %get3A_12 = vector.shape_cast %get3A_11 : vector<1x400x128xf32> to vector<400x128xf32>
    %get3A_13 = arith.constant 0 : index
    %get3A_14 = arith.constant 0 : index
    %get3A_15 = arith.constant 0 : index
    %get3A_16 = vector.load %arg2[%get3A_13, %get3A_14, %get3A_15] : memref<1x400x128xf32, #tpu.memory_space<vmem>>, vector<1x400x128xf32>
    %get3A_17 = vector.shape_cast %get3A_16 : vector<1x400x128xf32> to vector<400x128xf32>
    %add3A_18 = arith.addf %get3A_12, %get3A_17 : vector<400x128xf32>
    %get3A_19 = arith.constant 0 : index
    %get3A_20 = arith.constant 0 : index
    %get3A_21 = vector.load %arg3[%get3A_19, %get3A_20] : memref<400x128xf32, #tpu.memory_space<vmem>>, vector<400x128xf32>
    %add3A_22 = arith.addf %add3A_18, %get3A_21 : vector<400x128xf32>
    %mul3A = vector.broadcast %rsqrt3A : vector<400x1xf32> to vector<400x128xf32>
    %mul3A_23 = arith.mulf %add3A_22, %mul3A : vector<400x128xf32>
    %get3A_24 = arith.constant 0 : index
    %get3A_25 = arith.constant 0 : index
    %get3A_26 = vector.load %arg6[%get3A_24, %get3A_25] : memref<1x128xf32, #tpu.memory_space<vmem>>, vector<1x128xf32>
    %add3A_27 = vector.broadcast %get3A_26 : vector<1x128xf32> to vector<400x128xf32>
    %add3A_28 = arith.addf %mul3A_23, %add3A_27 : vector<400x128xf32>
    %max3A = arith.constant 0.000000e+00 : f32
    %max3A_29 = vector.broadcast %max3A : f32 to vector<400x128xf32>
    %max3A_30 = arith.maximumf %add3A_28, %max3A_29 : vector<400x128xf32>
    %get3A_31 = arith.constant 0 : index
    %get3A_32 = arith.constant 0 : index
    %get3A_33 = vector.load %arg7[%get3A_31, %get3A_32] : memref<128x128xf32, #tpu.memory_space<vmem>>, vector<128x128xf32>
    %dot_general3A = arith.constant dense<0.000000e+00> : vector<400x128xf32>
    %dot_general3A_34 = tpu.matmul %max3A_30, %get3A_33, %dot_general3A {dimension_numbers = #tpu.dot_dimension_numbers<[1], [0], [0], [1], [0, 0, 1, 1], [], []>, transpose_lhs_hint = false} : vector<400x128xf32>, vector<128x128xf32>, vector<400x128xf32> -> vector<400x128xf32>
    %mul3A_35 = vector.broadcast %rsqrt3A : vector<400x1xf32> to vector<400x128xf32>
    %mul3A_36 = arith.mulf %dot_general3A_34, %mul3A_35 : vector<400x128xf32>
    %swap3A = arith.constant 0 : index
    %swap3A_37 = arith.constant 0 : index
    %swap3A_38 = vector.load %arg8[%swap3A, %swap3A_37] : memref<400x128xf32, #tpu.memory_space<vmem>>, vector<400x128xf32>
    tpu.vector_store %arg8[%swap3A, %swap3A_37], %mul3A_36 {strides = array<i32>} : memref<400x128xf32, #tpu.memory_space<vmem>>, vector<400x128xf32>,
    return
  }
  func.func @transform_0(%arg0: i32) -> (i32, i32, i32) {
    %c0_i32 = arith.constant 0 : i32
    %c0_i32_0 = arith.constant 0 : i32
    %c0_i32_1 = arith.constant 0 : i32
    return %c0_i32, %arg0, %c0_i32_0 : i32, i32, i32
  }
  func.func @transform_1(%arg0: i32) -> (i32, i32, i32) {
    %c1_i32 = arith.constant 1 : i32
    %c0_i32 = arith.constant 0 : i32
    %c0_i32_0 = arith.constant 0 : i32
    return %c1_i32, %arg0, %c0_i32 : i32, i32, i32
  }
  func.func @transform_2(%arg0: i32) -> (i32, i32) {
    %c0_i32 = arith.constant 0 : i32
    %c0_i32_0 = arith.constant 0 : i32
    return %arg0, %c0_i32 : i32, i32
  }
  func.func @transform_3(%arg0: i32) -> (i32, i32) {
    %c0_i32 = arith.constant 0 : i32
    %c0_i32_0 = arith.constant 0 : i32
    return %arg0, %c0_i32 : i32, i32
  }
  func.func @transform_4(%arg0: i32) -> (i32, i32) {
    %add3A = arith.constant 128 : i32
    %add3A_0 = arith.addi %arg0, %add3A : i32
    %c0_i32 = arith.constant 0 : i32
    %c0_i32_1 = arith.constant 0 : i32
    return %add3A_0, %c0_i32 : i32, i32
  }
  func.func @transform_5(%arg0: i32) -> (i32, i32) {
    %c0_i32 = arith.constant 0 : i32
    %c0_i32_0 = arith.constant 0 : i32
    %c0_i32_1 = arith.constant 0 : i32
    return %c0_i32, %c0_i32_0 : i32, i32
  }
  func.func @transform_6(%arg0: i32) -> (i32, i32) {
    %c0_i32 = arith.constant 0 : i32
    %c0_i32_0 = arith.constant 0 : i32
    %c0_i32_1 = arith.constant 0 : i32
    return %c0_i32, %c0_i32_0 : i32, i32
  }
  func.func @transform_7(%arg0: i32) -> (i32, i32) {
    %c0_i32 = arith.constant 0 : i32
    %c0_i32_0 = arith.constant 0 : i32
    return %arg0, %c0_i32 : i32, i32
  }
}

module attributes {stable_mosaic.version = 14 : i64} {
  func.func @_p3_body(%arg0: i32, %arg1: memref<1x400x128xf32, #tpu.memory_space<vmem>>, %arg2: memref<1x400x128xf32, #tpu.memory_space<vmem>>, %arg3: memref<400x128xf32, #tpu.memory_space<vmem>>, %arg4: memref<400x1xf32, #tpu.memory_space<vmem>>, %arg5: memref<400x1xf32, #tpu.memory_space<vmem>>, %arg6: memref<1x128xf32, #tpu.memory_space<vmem>>, %arg7: memref<128x64xf32, #tpu.memory_space<vmem>>, %arg8: memref<1x64xf32, #tpu.memory_space<vmem>>, %arg9: memref<400x64xf32, #tpu.memory_space<vmem>>) attributes {dimension_semantics = [#tpu.dimension_semantics<arbitrary>], iteration_bounds = array<i64: 25>, scalar_prefetch = 0 : i64, scratch_operands = 0 : i64, tpu.core_type = #tpu.core_type<tc>, window_params = [{transform_indices = @transform_0, window_bounds = array<i64: 1, 400, 128>}, {transform_indices = @transform_1, window_bounds = array<i64: 1, 400, 128>}, {transform_indices = @transform_2, window_bounds = array<i64: 400, 128>}, {transform_indices = @transform_3, window_bounds = array<i64: 400, 1>}, {transform_indices = @transform_4, window_bounds = array<i64: 400, 1>}, {pipeline_mode = #tpu.pipeline_mode<synchronous>, transform_indices = @transform_5, window_bounds = array<i64: 1, 128>}, {pipeline_mode = #tpu.pipeline_mode<synchronous>, transform_indices = @transform_6, window_bounds = array<i64: 128, 64>}, {pipeline_mode = #tpu.pipeline_mode<synchronous>, transform_indices = @transform_7, window_bounds = array<i64: 1, 64>}, {transform_indices = @transform_8, window_bounds = array<i64: 400, 64>}]} {
    %get3A = arith.constant 0 : index
    %get3A_0 = arith.constant 0 : index
    %get3A_1 = vector.load %arg4[%get3A, %get3A_0] : memref<400x1xf32, #tpu.memory_space<vmem>>, vector<400x1xf32>
    %get3A_2 = arith.constant 0 : index
    %get3A_3 = arith.constant 0 : index
    %get3A_4 = vector.load %arg5[%get3A_2, %get3A_3] : memref<400x1xf32, #tpu.memory_space<vmem>>, vector<400x1xf32>
    %add3A = arith.addf %get3A_1, %get3A_4 : vector<400x1xf32>
    %add3A_5 = arith.constant 1.000000e+00 : f32
    %add3A_6 = vector.broadcast %add3A_5 : f32 to vector<400x1xf32>
    %add3A_7 = arith.addf %add3A, %add3A_6 : vector<400x1xf32>
    %rsqrt3A = math.rsqrt %add3A_7 : vector<400x1xf32>
    %get3A_8 = arith.constant 0 : index
    %get3A_9 = arith.constant 0 : index
    %get3A_10 = arith.constant 0 : index
    %get3A_11 = vector.load %arg1[%get3A_8, %get3A_9, %get3A_10] : memref<1x400x128xf32, #tpu.memory_space<vmem>>, vector<1x400x128xf32>
    %get3A_12 = vector.shape_cast %get3A_11 : vector<1x400x128xf32> to vector<400x128xf32>
    %get3A_13 = arith.constant 0 : index
    %get3A_14 = arith.constant 0 : index
    %get3A_15 = arith.constant 0 : index
    %get3A_16 = vector.load %arg2[%get3A_13, %get3A_14, %get3A_15] : memref<1x400x128xf32, #tpu.memory_space<vmem>>, vector<1x400x128xf32>
    %get3A_17 = vector.shape_cast %get3A_16 : vector<1x400x128xf32> to vector<400x128xf32>
    %add3A_18 = arith.addf %get3A_12, %get3A_17 : vector<400x128xf32>
    %get3A_19 = arith.constant 0 : index
    %get3A_20 = arith.constant 0 : index
    %get3A_21 = vector.load %arg3[%get3A_19, %get3A_20] : memref<400x128xf32, #tpu.memory_space<vmem>>, vector<400x128xf32>
    %add3A_22 = arith.addf %add3A_18, %get3A_21 : vector<400x128xf32>
    %mul3A = vector.broadcast %rsqrt3A : vector<400x1xf32> to vector<400x128xf32>
    %mul3A_23 = arith.mulf %add3A_22, %mul3A : vector<400x128xf32>
    %get3A_24 = arith.constant 0 : index
    %get3A_25 = arith.constant 0 : index
    %get3A_26 = vector.load %arg6[%get3A_24, %get3A_25] : memref<1x128xf32, #tpu.memory_space<vmem>>, vector<1x128xf32>
    %add3A_27 = vector.broadcast %get3A_26 : vector<1x128xf32> to vector<400x128xf32>
    %add3A_28 = arith.addf %mul3A_23, %add3A_27 : vector<400x128xf32>
    %max3A = arith.constant 0.000000e+00 : f32
    %max3A_29 = vector.broadcast %max3A : f32 to vector<400x128xf32>
    %max3A_30 = arith.maximumf %add3A_28, %max3A_29 : vector<400x128xf32>
    %get3A_31 = arith.constant 0 : index
    %get3A_32 = arith.constant 0 : index
    %get3A_33 = vector.load %arg7[%get3A_31, %get3A_32] : memref<128x64xf32, #tpu.memory_space<vmem>>, vector<128x64xf32>
    %dot_general3A = arith.constant dense<0.000000e+00> : vector<400x64xf32>
    %dot_general3A_34 = tpu.matmul %max3A_30, %get3A_33, %dot_general3A {dimension_numbers = #tpu.dot_dimension_numbers<[1], [0], [0], [1], [0, 0, 1, 1], [], []>, transpose_lhs_hint = false} : vector<400x128xf32>, vector<128x64xf32>, vector<400x64xf32> -> vector<400x64xf32>
    %get3A_35 = arith.constant 0 : index
    %get3A_36 = arith.constant 0 : index
    %get3A_37 = vector.load %arg8[%get3A_35, %get3A_36] : memref<1x64xf32, #tpu.memory_space<vmem>>, vector<1x64xf32>
    %add3A_38 = vector.broadcast %get3A_37 : vector<1x64xf32> to vector<400x64xf32>
    %add3A_39 = arith.addf %dot_general3A_34, %add3A_38 : vector<400x64xf32>
    %swap3A = arith.constant 0 : index
    %swap3A_40 = arith.constant 0 : index
    %swap3A_41 = vector.load %arg9[%swap3A, %swap3A_40] : memref<400x64xf32, #tpu.memory_space<vmem>>, vector<400x64xf32>
    tpu.vector_store %arg9[%swap3A, %swap3A_40], %add3A_39 {strides = array<i32>} : memref<400x64xf32, #tpu.memory_space<vmem>>, vector<400x64xf32>,
    return
  }
  func.func @transform_0(%arg0: i32) -> (i32, i32, i32) {
    %c0_i32 = arith.constant 0 : i32
    %c0_i32_0 = arith.constant 0 : i32
    %c0_i32_1 = arith.constant 0 : i32
    return %c0_i32, %arg0, %c0_i32_0 : i32, i32, i32
  }
  func.func @transform_1(%arg0: i32) -> (i32, i32, i32) {
    %c1_i32 = arith.constant 1 : i32
    %c0_i32 = arith.constant 0 : i32
    %c0_i32_0 = arith.constant 0 : i32
    return %c1_i32, %arg0, %c0_i32 : i32, i32, i32
  }
  func.func @transform_2(%arg0: i32) -> (i32, i32) {
    %c0_i32 = arith.constant 0 : i32
    %c0_i32_0 = arith.constant 0 : i32
    return %arg0, %c0_i32 : i32, i32
  }
  func.func @transform_3(%arg0: i32) -> (i32, i32) {
    %c0_i32 = arith.constant 0 : i32
    %c0_i32_0 = arith.constant 0 : i32
    return %arg0, %c0_i32 : i32, i32
  }
  func.func @transform_4(%arg0: i32) -> (i32, i32) {
    %add3A = arith.constant 128 : i32
    %add3A_0 = arith.addi %arg0, %add3A : i32
    %c0_i32 = arith.constant 0 : i32
    %c0_i32_1 = arith.constant 0 : i32
    return %add3A_0, %c0_i32 : i32, i32
  }
  func.func @transform_5(%arg0: i32) -> (i32, i32) {
    %c0_i32 = arith.constant 0 : i32
    %c0_i32_0 = arith.constant 0 : i32
    %c0_i32_1 = arith.constant 0 : i32
    return %c0_i32, %c0_i32_0 : i32, i32
  }
  func.func @transform_6(%arg0: i32) -> (i32, i32) {
    %c0_i32 = arith.constant 0 : i32
    %c0_i32_0 = arith.constant 0 : i32
    %c0_i32_1 = arith.constant 0 : i32
    return %c0_i32, %c0_i32_0 : i32, i32
  }
  func.func @transform_7(%arg0: i32) -> (i32, i32) {
    %c0_i32 = arith.constant 0 : i32
    %c0_i32_0 = arith.constant 0 : i32
    %c0_i32_1 = arith.constant 0 : i32
    return %c0_i32, %c0_i32_0 : i32, i32
  }
  func.func @transform_8(%arg0: i32) -> (i32, i32) {
    %c0_i32 = arith.constant 0 : i32
    %c0_i32_0 = arith.constant 0 : i32
    return %arg0, %c0_i32 : i32, i32
  }
}

</mosaic_0001>

<sc_bundles>
// kernel: kernel.11.cloned.1.call-start
scs
__scs_entry_jumppad:
0x0: {  	(pc) =	sbr.rel $0x88, $3  }
0x1: {  	(tag) =	ssettag $0x0;
	lr =	simm.s32 $0x1  }
0x2: {  	[smem:$0x3F99] =	sst lr;
	_ =	strace $0xD0000000  }
0x3: {  	_ = 	snop  }
0x4: {  	_ = 	snop  }
0x5: {  	_ = 	snop  }
0x6: {  	_ = 	snop  }
0x7: {  	_ = 	snop  }
__scs_overlays_trampoline_lowered:
0x8: {  	[smem:$0x3FA8] =	sst s0  }
0x9: {  	[smem:$0x3FA9] =	sst s1  }
0xa: {  	[smem:$0x3FAA] =	sst s2  }
0xb: {  	[smem:$0x3FAB] =	sst s3  }
0xc: {  	[smem:$0x3FAC] =	sst s4  }
0xd: {  	[smem:$0x3FAD] =	sst s5  }
0xe: {  	[smem:$0x3FAE] =	sst s6  }
0xf: {  	[smem:$0x3FAF] =	sst s7  }
0x10: {  	[smem:$0x3FB0] =	sst s8  }
0x11: {  	[smem:$0x3FB1] =	sst s9;
	s0 =	simm.s32 @!p0 $0x0  }
0x12: {  	s1 =	sld [smem:$0x3F97];
	s0 =	simm.s32 @p0 $0x1  }
0x13: {  	[smem:$0x3FB2] =	sst s0;
	s0 =	simm.s32 @!p1 $0x0  }
0x14: {  	s2 =	sld [smem:$0x3F96];
	s0 =	simm.s32 @p1 $0x1  }
0x15: {  	[smem:$0x3FB3] =	sst s0;
	s0 =	simm.s32 @!p2 $0x0  }
0x16: {  	s3 =	sld [smem:$0x3FDB];
	s0 =	simm.s32 @p2 $0x1  }
0x17: {  	s4 =	simm.s32 $0x1BF5;
	[smem:$0x3FB5] =	sst s0  }
0x18: {  	s0 =	sld [smem:$0x3F98];
	_ =	swait.ge [sflag:s4], $0x0  }
0x19: {  	s7 =	sld [smem:$0x3F99]  }
0x1a: {  	s8 =	sadd.s32 $0xFFFFE003, lr  }
0x1b: {  	s9 =	sadd.s32 $0xFFFFFEF7, lr;
	s5 =	simm.s32 $0xFFFFFFFF;
	p2 =	slt.u32 s8, $0xFFFFF086  }
0x1c: {  	p1 =	slt.u32 s9, $0xF7A;
	s5 =	simm.s32 @!p2 $0x0  }
0x1d: {  	s5 =	simm.s32 @p1 $0x1;
	p0 =	seq.s32 s7, s2  }
0x1e: {  	s7 =	smul.u32 @!p0 $0xF7A, s2;
	p2 =	seq.s32 @!p0 s5, $0x0  }
0x1f: {  	s9 =	smul.u32 $0xF7A, s1;
	s8 =	simm.s32 @!p0 $0x1BF5;
	p2 =	por !p2, p0  }
0x20: {  	[sflag:s8] =	ssyncset.s32 @!p0 $0xFFFFF086;
	s6 =	sadd.s32 @!p0 s3, s7;
	s7 =	simm.s32 @!p0 $0x108  }
0x21: {  	s3 =	sadd.s32 s3, s9;
	s6 =	sadd.s32 @!p0 $0x88, s6;
	s7 =	simm.s32 @p2 $0x1082  }
0x22: {  	[simem:s7], [sflag:s8] =	dma.local @!p0 [hbm:s6], $0xF7A  }
0x23: {  	s9 =	sor.u32 $0xD0000000, s2;
	s6 =	simm.s32 $0x108;
	_ =	swait.ge @!p0 [sflag:s8], $0x0  }
0x24: {  	s3 =	sadd.s32 $0x88, s3;
	s6 =	simm.s32 @!p1 $0x1082;
	[sflag:s4] =	ssyncset.s32 $0xFFFFF086  }
0x25: {  	[simem:s6], [sflag:s4] =	dma.local [hbm:s3], $0xF7A  }
0x26: {  	[smem:$0x3F99] =	sst s1;
	(tag) =	ssettag s2;
	_ =	strace s9  }
0x27: {  	s1 =	sld [smem:$0x3FA9]  }
0x28: {  	s2 =	sld [smem:$0x3FAA]  }
0x29: {  	s4 =	sld [smem:$0x3FAC]  }
0x2a: {  	p0 =	seq.s32 s5, $0x0;
	s5 =	sld [smem:$0x3FAD]  }
0x2b: {  	s6 =	sld [smem:$0x3FAE]  }
0x2c: {  	s7 =	sld [smem:$0x3FAF]  }
0x2d: {  	s3 =	simm.s32 $0x108;
	s8 =	sld [smem:$0x3FB0]  }
0x2e: {  	s3 =	simm.s32 @!p0 $0x1082;
	s9 =	sld [smem:$0x3FB1]  }
0x2f: {  	lr =	sadd.s32 s0, s3;
	s0 =	sld [smem:$0x3FA8]  }
0x30: {  	s3 =	sld [smem:$0x3FAB]  }
0x31: {  	[smem:$0x3FB4] =	sst s10  }
0x32: {  	s10 =	sld [smem:$0x3FB2];
	_ =	sdelay $0x3  }
0x33: {  	p0 =	seq.s32 s10, $0x1;
	s10 =	sld [smem:$0x3FB4];
	_ =	sdelay $0x3  }
0x34: {  	[smem:$0x3FB4] =	sst s10  }
0x35: {  	s10 =	sld [smem:$0x3FB3];
	_ =	sdelay $0x3  }
0x36: {  	p1 =	seq.s32 s10, $0x1;
	s10 =	sld [smem:$0x3FB4];
	_ =	sdelay $0x3  }
0x37: {  	[smem:$0x3FB4] =	sst s10  }
0x38: {  	s10 =	sld [smem:$0x3FB5]  }
0x39: {  	_ = 	snop;
	(pc) =	sbr.ind lr, $3  }
0x3a: {  	_ = 	snop  }
0x3b: {  	_ = 	snop  }
0x3c: {  	p2 =	seq.s32 s10, $0x1;
	s10 =	sld [smem:$0x3FB4]  }
0x3d: {  	_ =	shalt  }
0x3e: {  	_ =	shalt  }
0x3f: {  	_ =	shalt  }
0x40: {  	_ =	shalt  }
0x41: {  	_ =	shalt  }
0x42: {  	_ =	shalt  }
0x43: {  	_ =	shalt  }
0x44: {  	_ =	shalt  }
0x45: {  	_ =	shalt  }
0x46: {  	_ =	shalt  }
0x47: {  	_ =	shalt  }
0x48: {  	_ =	shalt  }
0x49: {  	_ =	shalt  }
0x4a: {  	_ =	shalt  }
0x4b: {  	_ =	shalt  }
0x4c: {  	_ =	shalt  }
0x4d: {  	_ =	shalt  }
0x4e: {  	_ =	shalt  }
0x4f: {  	_ =	shalt  }
0x50: {  	_ =	shalt  }
0x51: {  	_ =	shalt  }
0x52: {  	_ =	shalt  }
0x53: {  	_ =	shalt  }
0x54: {  	_ =	shalt  }
0x55: {  	_ =	shalt  }
0x56: {  	_ =	shalt  }
0x57: {  	_ =	shalt  }
0x58: {  	_ =	shalt  }
0x59: {  	_ =	shalt  }
0x5a: {  	_ =	shalt  }
0x5b: {  	_ =	shalt  }
0x5c: {  	_ =	shalt  }
0x5d: {  	_ =	shalt  }
0x5e: {  	_ =	shalt  }
0x5f: {  	_ =	shalt  }
0x60: {  	_ =	shalt  }
0x61: {  	_ =	shalt  }
0x62: {  	_ =	shalt  }
0x63: {  	_ =	shalt  }
0x64: {  	_ =	shalt  }
0x65: {  	_ =	shalt  }
0x66: {  	_ =	shalt  }
0x67: {  	_ =	shalt  }
0x68: {  	_ =	shalt  }
0x69: {  	_ =	shalt  }
0x6a: {  	_ =	shalt  }
0x6b: {  	_ =	shalt  }
0x6c: {  	_ =	shalt  }
0x6d: {  	_ =	shalt  }
0x6e: {  	_ =	shalt  }
0x6f: {  	_ =	shalt  }
0x70: {  	_ =	shalt  }
0x71: {  	_ =	shalt  }
0x72: {  	_ =	shalt  }
0x73: {  	_ =	shalt  }
0x74: {  	_ =	shalt  }
0x75: {  	_ =	shalt  }
0x76: {  	_ =	shalt  }
0x77: {  	_ =	shalt  }
0x78: {  	_ =	shalt  }
0x79: {  	_ =	shalt  }
0x7a: {  	_ =	shalt  }
0x7b: {  	_ =	shalt  }
0x7c: {  	_ =	shalt  }
0x7d: {  	_ =	shalt  }
0x7e: {  	_ =	shalt  }
0x7f: {  	_ =	shalt  }
0x80: {  	_ =	shalt  }
0x81: {  	_ =	shalt  }
0x82: {  	_ =	shalt  }
0x83: {  	_ =	shalt  }
0x84: {  	_ =	shalt  }
0x85: {  	_ =	shalt  }
0x86: {  	_ =	shalt  }
0x87: {  	_ =	shalt  }
.Lfunc_end0:
.L_simem_size_0:
called_computation.1_lowered:
.L_overlay_start_0:
0x88: {  	s2 =	sld [smem:$0x3FD9]  }
0x89: {  	s3 =	sld [smem:$0x3FFE];
	_ =	sdelay $0x1  }
0x8a: {  	s1 =	srdreg.scid  }
0x8b: {  	s0 =	sand.u32 $0x1, s1  }
0x8c: {  	s17 =	sshll.u32 s0, $0xA;
	s2 =	sadd.s32 s3, s2  }
0x8d: {  	s2 =	sadd.s32 s2, s17  }
0x8e: {  	[smem:$0x3FC0] =	sst s2  }
0x8f: {  	_ = 	snop  }
0x90: {  	s2 =	sld [smem:$0x3FD0];
	(tm) =	ssettm $0x1  }
0x91: {  	s18 =	sld [smem:$0x3FFB];
	_ =	sdelay $0x3  }
0x92: {  	_ =	strace s18  }
0x93: {  	s3 =	sld [smem:$0x3FFC];
	_ =	sdelay $0x3  }
0x94: {  	_ =	strace s3  }
0x95: {  	s3 =	sld [smem:$0x3FFD];
	_ =	sdelay $0x3  }
0x96: {  	_ =	strace s3  }
0x97: {  	_ =	strace $0x8FFFFFFF  }
0x98: {  	s19 =	sld [smem:$0x3FDB];
	_ =	sdelay $0x1  }
0x99: {  	s4 =	simm.s32 $_scs_section_size  }
0x9a: {  	s5 =	simm.s32 $_size__tile_overlayer_lowered;
	s6 =	simm.s32 $_tile_overlayer_lowered  }
0x9b: {  	s22 =	simm.s32 $0x1BFF;
	s21 =	sshll.u32 s6, $0x1;
	s3 =	sadd.s32 s4, s19  }
0x9c: {  	s7 =	simm.s32 $0x0;
	s20 =	sshll.u32 s5, $0x1;
	s5 =	sadd.s32 s21, s3  }
0x9d: {  	[timem:s7], [sflag:s22] =	dma.local [hbm:s5], s20  }
0x9e: {  	_ =	swait.ge [sflag:s22], s20  }
0x9f: {  	s4 =	ssub.s32 $0x0, s20;
	[sflag:s22] =	ssyncset.done $0x0  }
0xa0: {  	[sflag:s22] =	ssyncadd.s32 s4;
	_ =	sdelay $0x1  }
0xa1: {  	s23 =	simm.s32 $0x1B8B  }
0xa2: {  	_ =	swait.ge [sflag:s23], $0x1  }
0xa3: {  	[sflag:s23] =	ssyncset.done $0x0  }
0xa4: {  	s25 =	simm.s32 $0x1B8E;
	s24 =	sld [smem:$0x3FFE];
	[sflag:s23] =	ssyncadd.s32 $0xFFFFFFFF  }
0xa5: {  	s26 =	simm.s32 $execute0_lowered;
	[smem:$0x3FD2] =	sst s25  }
0xa6: {  	s5 =	sshll.u32 s26, $0x1;
	_ =	strace $0x80000049;
	[dreg:$0x1] =	wrdreg $0xFFFFFFFF  }
0xa7: {  	s28 =	simm.s32 $_size_execute0_lowered;
	s3 =	sadd.s32 s3, s5;
	[dreg:$0x0] =	wrdreg $0x0  }
0xa8: {  	s5 =	sshll.u32 s28, $0x1;
	[dreg:$0x2] =	wrdreg s3  }
0xa9: {  	[dreg:$0x3] =	wrdreg s5  }
0xaa: {  	[dreg:$0x4] =	wrdreg $0xC0  }
0xab: {  	_ =	task [dreg:s7], $0x5FFFF  }
0xac: {  	[dreg:$0x1] =	wrdreg $0xFFFFFFFF  }
0xad: {  	[dreg:$0x0] =	wrdreg $0x60  }
0xae: {  	[dreg:$0x2] =	wrdreg s24  }
0xaf: {  	[dreg:$0x3] =	wrdreg s2  }
0xb0: {  	[dreg:$0x4] =	wrdreg $0xA9000  }
0xb1: {  	[dreg:$0x5] =	wrdreg $0x9  }
0xb2: {  	_ =	task.clear_ibuf [dreg:s7], $0x6FFFF;
	_ =	strace $0x90000049  }
0xb3: {  	s29 =	simm.s32 $0x9;
	_ =	strace $0x8000004B  }
0xb4: {  	_ =	swait.ge [sflag:s29], $0x1  }
0xb5: {  	[sflag:s29] =	ssyncadd.s32 $0xFFFFFFFF  }
0xb6: {  	_ =	strace $0x9000004B  }
0xb7: {  	_ =	sfence  }
0xb8: {  	s30 =	sld [smem:$0x0];
	_ =	sdelay $0x2  }
0xb9: {  	s31 =	sshll.u32 s1, $0xD;
	s1 =	sshrl.u32 s1, $0x2  }
0xba: {  	s3 =	sand.u32 $0x4000, s31;
	s1 =	sadd.s32 s1, s30  }
0xbb: {  	s0 =	sor.u32 s3, s0;
	s1 =	sshll.u32 s1, $0x11  }
0xbc: {  	s0 =	sor.u32 s1, s0  }
0xbd: {  	s0 =	sadd.s32 $0x8F2B, s0  }
0xbe: {  	[sflag:s0] =	ssyncadd.remote.s32 $0x1  }
0xbf: {  	_ =	sfence.sel $0xFFFF  }
0xc0: {  	[dreg:$0x0] =	wrdreg $0xFFFFFFFF;
	(pc) =	sbr.abs _section_cstart, $3  }
0xc1: {  	[dreg:$0x1] =	wrdreg $0xFFFFFFFF  }
0xc2: {  	_ =	task.clear_ibuf [dreg:s7], $0x2FFFF;
	_ =	strace $0x9FFFFFFF  }
0xc3: {  	(tm) =	ssettm $0x7FFFFFFF  }
tec
execute0_lowered:
.L_overlay_start_1:
0x0: {  	(tag) =	ssettag $0x1  }
0x1: {  	s6 =	rddreg [dreg:$0x0]  }
0x2: {  	s12 =	rddreg [dreg:$0x1]  }
0x3: {  	s0 =	srdreg.scid;
	s2 =	rddreg [dreg:$0x2]  }
0x4: {  	s1 =	stileid.u32;
	s3 =	simm.s32 $0x0;
	s20 =	simm.s32 $0x100  }
0x5: {  	s21 =	simm.s32 $0x80;
	s22 =	simm.s32 $0x6900;
	s7 =	smul.u32 $0x14000, s1  }
0x6: {  	s23 =	simm.s32 $0x1;
	s24 =	simm.s32 $0x2;
	s29 =	smul.u32 $0x50000, s1  }
0x7: {  	s25 =	simm.s32 $0x2800;
	s28 =	simm.s32 $0x0;
	s13 =	smul.u32 $0x500, s1  }
0x8: {  	s9 =	sand.u32 $0x1, s0;
	[smem:$0x7FF] =	sst s3;
	s19 =	smul.u32 $0x2800, s1  }
0x9: {  	s4 =	sadd.s32 $0x19FC00, s6;
	s17 =	sadd.s32 $0x5C00, s6;
	s5 =	smul.u32 $0x140000, s9  }
0xa: {  	_ =	strace $0x8000004A;
	s26 =	ssub.s32 $0x2, s9;
	s11 =	smul.u32 $0x5000, s9  }
0xb: {  	s10 =	sshll.u32 s9, $0x4;
	s16 =	smul.u32 $0x28000, s9;
	s8 =	sshrl.u32 s26, $0x1  }
0xc: {  	s10 =	sor.u32 s1, s10;
	s7 =	sadd.s32 s7, s5;
	s5 =	sadd.s32 $0x2A00, s6  }
0xd: {  	s15 =	ssub.s32 s26, s8;
	s10 =	smul.u32 $0x2800, s10;
	s13 =	sadd.s32 s13, s11  }
0xe: {  	s16 =	sadd.s32 s19, s16;
	s19 =	simm.s32 $0x3;
	s26 =	simm.s32 $0x2880  }
0xf: {  	s7 =	sshrl.u32 s7, $0x3;
	s12 =	sadd.s32 s12, s13;
	s30 =	sor.u32 $0x180, s16  }
0x10: {  	s16 =	sor.u32 $0x100, s16;
	s15 =	smax.u32 s15, $0x1;
	s14 =	sadd.s32 s7, s6  }
0x11: {  	s7 =	sshrl.u32 s29, $0x2;
	s18 =	sshrl.u32 s10, $0x3;
	s31 =	sshrl.u32 s16, $0x3  }
0x12: {  	s6 =	sadd.s32 s7, s2;
	s11 =	sadd.s32 s17, s18;
	s14 =	sadd.s32 $0x1C6E00, s14  }
0x13: {  	s18 =	sshrl.u32 s30, $0x3;
	s7 =	sadd.s32 $0x4000, s6;
	s8 =	sadd.s32 $0x8000, s6  }
0x14: {  	s9 =	sadd.s32 $0xC000, s6;
	s10 =	sadd.s32 $0x10000, s6;
	s13 =	sadd.s32 $0x10, s11  }
0x15: {  	s16 =	sadd.s32 s18, s17;
	s17 =	sadd.s32 s31, s17;
	s18 =	simm.s32 $0x2900  }
.LBB2_1:
0x16: {  	[tilespmem:s18], [sflag:$0x3] =	stream.linear.gather [hbm4b:s5+s3], $0x4000, $0x38;
	[tilespmem:$0x1E900] =	vst v63  }
0x17: {  	_ =	swait.ge [sflag:s19], $0x4000  }
0x18: {  	[sflag:s19] =	ssyncset.done $0x0  }
0x19: {  	[sflag:s19] =	ssyncadd.s32 $0xFFFFC000  }
0x1a: {  	[spmem:s6] =	stream.linear.scatter [tilespmem:s18], [sflag:$0x3], $0x4000, $0x38;
	[tilespmem:$0x1E900] =	vst v63  }
0x1b: {  	_ =	swait.ge [sflag:s19], $0x4000  }
0x1c: {  	[sflag:s19] =	ssyncset.done $0x0  }
0x1d: {  	[sflag:s19] =	ssyncadd.s32 $0xFFFFC000  }
0x1e: {  	[spmem:s7] =	stream.linear.scatter [tilespmem:s18], [sflag:$0x3], $0x4000, $0x38;
	[tilespmem:$0x1E900] =	vst v63  }
0x1f: {  	_ =	swait.ge [sflag:s19], $0x4000  }
0x20: {  	[sflag:s19] =	ssyncset.done $0x0  }
0x21: {  	[sflag:s19] =	ssyncadd.s32 $0xFFFFC000  }
0x22: {  	[spmem:s8] =	stream.linear.scatter [tilespmem:s18], [sflag:$0x3], $0x4000, $0x38;
	[tilespmem:$0x1E900] =	vst v63  }
0x23: {  	_ =	swait.ge [sflag:s19], $0x4000  }
0x24: {  	[sflag:s19] =	ssyncset.done $0x0  }
0x25: {  	[sflag:s19] =	ssyncadd.s32 $0xFFFFC000  }
0x26: {  	[spmem:s9] =	stream.linear.scatter [tilespmem:s18], [sflag:$0x3], $0x4000, $0x38;
	[tilespmem:$0x1E900] =	vst v63  }
0x27: {  	_ =	swait.ge [sflag:s19], $0x4000  }
0x28: {  	[sflag:s19] =	ssyncset.done $0x0  }
0x29: {  	[sflag:s19] =	ssyncadd.s32 $0xFFFFC000  }
0x2a: {  	[spmem:s10] =	stream.linear.scatter [tilespmem:s18], [sflag:$0x3], $0x4000, $0x38;
	[tilespmem:$0x1E900] =	vst v63  }
0x2b: {  	_ =	swait.ge [sflag:s19], $0x4000  }
0x2c: {  	[sflag:s19] =	ssyncset.done $0x0  }
0x2d: {  	[sflag:s19] =	ssyncadd.s32 $0xFFFFC000  }
0x2e: {  	[tilespmem:s20], [sflag:$0x3] =	stream.linear.gather [hbm4b:s12+s3], $0x2800, $0x38;
	[tilespmem:$0x1E900] =	vst v63  }
0x2f: {  	_ =	swait.ge [sflag:s19], $0x2800  }
0x30: {  	[sflag:s19] =	ssyncset.done $0x0  }
0x31: {  	[sflag:s19] =	ssyncadd.s32 $0xFFFFD800  }
0x32: {  	[bflag:$0x0] =	sbarrier.arrive $0xFFFF  }
0x33: {  	[tilespmem:s3], [sflag:$0x3] =	stream.linear.gather [hbm4b:s11+s3], $0x80, $0x38;
	[tilespmem:$0x1E900] =	vst v63  }
0x34: {  	_ =	swait.ge [sflag:s19], $0x80  }
0x35: {  	[sflag:s19] =	ssyncset.done $0x0  }
0x36: {  	[sflag:s19] =	ssyncadd.s32 $0xFFFFFF80  }
0x37: {  	[tilespmem:s18], [sflag:$0x1] =	stream.indirect.gather [hbm4b:s4+s21], $0x80, s3, s21, $0xb8;
	[tilespmem:$0x1E900] =	vst v63  }
0x38: {  	_ = 	snop  }
0x39: {  	[tilespmem:s21], [sflag:$0x3] =	stream.linear.gather [hbm4b:s13+s3], $0x80, $0x38;
	[tilespmem:$0x1E900] =	vst v63  }
0x3a: {  	_ =	swait.ge [sflag:s19], $0x80  }
0x3b: {  	[sflag:s19] =	ssyncset.done $0x0  }
0x3c: {  	[sflag:s19] =	ssyncadd.s32 $0xFFFFFF80  }
0x3d: {  	[tilespmem:s22], [sflag:$0x2] =	stream.indirect.gather [hbm4b:s4+s21], $0x80, s21, s21, $0xb8;
	[tilespmem:$0x1E900] =	vst v63  }
0x3e: {  	_ =	swait.ge [sflag:s23], $0x4000  }
0x3f: {  	[sflag:s23] =	ssyncset.done $0x0  }
0x40: {  	s29 =	simm.s32 $0x100;
	[sflag:s23] =	ssyncadd.s32 $0xFFFFC000  }
0x41: {  	[spmem:s2] =	stream.indirect.scatter.add.f32 [tilespmem:s18], [sflag:$0x3], $0x80, s29, s21, $0xb8;
	[tilespmem:$0x1E900] =	vst v63  }
0x42: {  	_ =	swait.ge [sflag:s19], $0x4000  }
0x43: {  	[sflag:s19] =	ssyncset.done $0x0  }
0x44: {  	s29 =	sadd.s32 $0x0, s17;
	[sflag:s19] =	ssyncadd.s32 $0xFFFFC000  }
0x45: {  	[tilespmem:s3], [sflag:$0x3] =	stream.linear.gather [hbm4b:s29+s3], $0x80, $0x38;
	[tilespmem:$0x1E900] =	vst v63  }
0x46: {  	_ =	swait.ge [sflag:s19], $0x80  }
0x47: {  	[sflag:s19] =	ssyncset.done $0x0  }
0x48: {  	[sflag:s19] =	ssyncadd.s32 $0xFFFFFF80  }
0x49: {  	[tilespmem:s18], [sflag:$0x1] =	stream.indirect.gather [hbm4b:s4+s21], $0x80, s3, s21, $0xb8;
	[tilespmem:$0x1E900] =	vst v63  }
0x4a: {  	_ =	swait.ge [sflag:s24], $0x4000  }
0x4b: {  	[sflag:s24] =	ssyncset.done $0x0  }
0x4c: {  	s29 =	simm.s32 $0x180;
	[sflag:s24] =	ssyncadd.s32 $0xFFFFC000  }
0x4d: {  	[spmem:s2] =	stream.indirect.scatter.add.f32 [tilespmem:s22], [sflag:$0x3], $0x80, s29, s21, $0xb8;
	[tilespmem:$0x1E900] =	vst v63  }
0x4e: {  	_ =	swait.ge [sflag:s19], $0x4000  }
0x4f: {  	[sflag:s19] =	ssyncset.done $0x0  }
0x50: {  	s29 =	sadd.s32 $0x0, s16;
	[sflag:s19] =	ssyncadd.s32 $0xFFFFC000  }
0x51: {  	[tilespmem:s21], [sflag:$0x3] =	stream.linear.gather [hbm4b:s29+s3], $0x80, $0x38;
	[tilespmem:$0x1E900] =	vst v63  }
0x52: {  	_ =	swait.ge [sflag:s19], $0x80  }
0x53: {  	[sflag:s19] =	ssyncset.done $0x0  }
0x54: {  	s30 =	simm.s32 $0x280;
	s29 =	simm.s32 $0x20;
	[sflag:s19] =	ssyncadd.s32 $0xFFFFFF80  }
.LBB2_2:
0x55: {  	[tilespmem:s22], [sflag:$0x2] =	stream.indirect.gather [hbm4b:s4+s21], $0x80, s21, s21, $0xb8;
	[tilespmem:$0x1E900] =	vst v63  }
0x56: {  	s31 =	smov.u32 s29  }
0x57: {  	p0 =	sne.s32 s29, $0x4C0;
	s29 =	sadd.s32 $0x20, s29;
	_ =	swait.ge [sflag:s23], $0x4000  }
0x58: {  	[sflag:s23] =	ssyncset.done $0x0  }
0x59: {  	s0 =	sadd.s32 $0xFFFFFF80, s30;
	[sflag:s23] =	ssyncadd.s32 $0xFFFFC000  }
0x5a: {  	[spmem:s2] =	stream.indirect.scatter.add.f32 [tilespmem:s18], [sflag:$0x3], $0x80, s0, s21, $0xb8;
	[tilespmem:$0x1E900] =	vst v63  }
0x5b: {  	_ =	swait.ge [sflag:s19], $0x4000  }
0x5c: {  	[sflag:s19] =	ssyncset.done $0x0  }
0x5d: {  	s0 =	sadd.s32 s31, s17;
	[sflag:s19] =	ssyncadd.s32 $0xFFFFC000  }
0x5e: {  	[tilespmem:s3], [sflag:$0x3] =	stream.linear.gather [hbm4b:s0+s3], $0x80, $0x38;
	[tilespmem:$0x1E900] =	vst v63  }
0x5f: {  	_ =	swait.ge [sflag:s19], $0x80  }
0x60: {  	[sflag:s19] =	ssyncset.done $0x0  }
0x61: {  	[sflag:s19] =	ssyncadd.s32 $0xFFFFFF80  }
0x62: {  	[tilespmem:s18], [sflag:$0x1] =	stream.indirect.gather [hbm4b:s4+s21], $0x80, s3, s21, $0xb8;
	[tilespmem:$0x1E900] =	vst v63  }
0x63: {  	_ =	swait.ge [sflag:s24], $0x4000  }
0x64: {  	[sflag:s24] =	ssyncset.done $0x0  }
0x65: {  	[sflag:s24] =	ssyncadd.s32 $0xFFFFC000  }
0x66: {  	[spmem:s2] =	stream.indirect.scatter.add.f32 [tilespmem:s22], [sflag:$0x3], $0x80, s30, s21, $0xb8;
	[tilespmem:$0x1E900] =	vst v63  }
0x67: {  	_ =	swait.ge [sflag:s19], $0x4000  }
0x68: {  	[sflag:s19] =	ssyncset.done $0x0  }
.Ltmp0:
0x69: {  	s0 =	sadd.s32 s31, s16;
	[sflag:s19] =	ssyncadd.s32 $0xFFFFC000;
	(pc) =	sbr.rel @p0 .LBB2_2-.Ltmp0, $4  }
0x6a: {  	[tilespmem:s21], [sflag:$0x3] =	stream.linear.gather [hbm4b:s0+s3], $0x80, $0x38;
	[tilespmem:$0x1E900] =	vst v63  }
0x6b: {  	_ =	swait.ge [sflag:s19], $0x80  }
0x6c: {  	[sflag:s19] =	ssyncset.done $0x0  }
0x6d: {  	s30 =	sadd.s32 $0x100, s30;
	[sflag:s19] =	ssyncadd.s32 $0xFFFFFF80  }
0x6e: {  	[tilespmem:s22], [sflag:$0x2] =	stream.indirect.gather [hbm4b:s4+s21], $0x80, s21, s21, $0xb8;
	[tilespmem:$0x1E900] =	vst v63  }
0x6f: {  	_ =	swait.ge [sflag:s23], $0x4000  }
0x70: {  	[sflag:s23] =	ssyncset.done $0x0  }
0x71: {  	[sflag:s23] =	ssyncadd.s32 $0xFFFFC000  }
0x72: {  	[spmem:s2] =	stream.indirect.scatter.add.f32 [tilespmem:s18], [sflag:$0x3], $0x80, s25, s21, $0xb8;
	[tilespmem:$0x1E900] =	vst v63  }
0x73: {  	_ =	swait.ge [sflag:s19], $0x4000  }
0x74: {  	[sflag:s19] =	ssyncset.done $0x0  }
0x75: {  	[sflag:s19] =	ssyncadd.s32 $0xFFFFC000  }
0x76: {  	_ =	swait.ge [sflag:s24], $0x4000  }
0x77: {  	[sflag:s24] =	ssyncset.done $0x0  }
0x78: {  	[sflag:s24] =	ssyncadd.s32 $0xFFFFC000  }
0x79: {  	[spmem:s2] =	stream.indirect.scatter.add.f32 [tilespmem:s22], [sflag:$0x3], $0x80, s26, s21, $0xb8;
	[tilespmem:$0x1E900] =	vst v63  }
0x7a: {  	_ =	swait.ge [sflag:s19], $0x4000  }
0x7b: {  	s0 =	sshll.u32 s1, $0x6;
	s28 =	sadd.s32 $0x1, s28;
	[sflag:s19] =	ssyncset.done $0x0  }
0x7c: {  	s29 =	sshrl.u32 s6, $0x3;
	p0 =	sne.s32 s28, s15;
	[sflag:s19] =	ssyncadd.s32 $0xFFFFC000  }
.Ltmp1:
0x7d: {  	s0 =	sor.u32 $0x1C03, s0;
	[bflag:$0x0] =	sbarrier.arrive $0xFFFF;
	(pc) =	sbr.rel @p0 .LBB2_1-.Ltmp1, $4  }
0x7e: {  	[hbm:s14], [sflag:s0] =	dma.local [spmem:s29], $0x2800  }
0x7f: {  	_ =	swait.ge [sflag:s19], $0x2800  }
0x80: {  	[sflag:s19] =	ssyncset.done $0x0  }
0x81: {  	[sflag:s19] =	ssyncadd.s32 $0xFFFFD800  }
0x82: {  	_ =	sfence.sel $0x180000  }
0x83: {  	[bflag:$0x0] =	sbarrier.arrive $0xFFFF  }
0x84: {  	_ =	strace $0x9000004A  }
0x85: {  	[bflag:$0x2] =	sbarrier.arrive $0xFFFF  }
0x86: {  	p0 =	sne.s32 s1, $0x0;
	s0 =	rddreg [dreg:$0x3]  }
0x87: {  	s0 =	sadd.s32 @!p0 $0x100000, s0  }
0x88: {  	[sflag:s0] =	ssyncadd.tile.s32 @!p0 $0x1;
	_ =	shalt  }
.Lfunc_end2:
_tile_overlayer_lowered:
.L_overlay_start_2:
0x89: {  	(tag) =	ssettag $0x2  }
0x8a: {  	s0 =	rddreg [dreg:$0x0];
	s2 =	stileid.u32  }
0x8b: {  	s1 =	rddreg [dreg:$0x1];
	p0 =	sne.s32 s2, $0x0  }
0x8c: {  	s3 =	rddreg [dreg:$0x2];
	[bflag:$0x3] =	sbarrier.arrive $0xFFFF;
	s2 =	simm.s32 @!p0 $0x1C03  }
0x8d: {  	[timem:s3], [sflag:s2] =	dma.local @!p0 [hbm:s0], s1  }
0x8e: {  	s0 =	simm.s32 @!p0 $0x3  }
0x8f: {  	_ =	swait.ge @!p0 [sflag:s0], s1  }
0x90: {  	s1 =	ssub.s32 @!p0 $0x0, s1;
	[sflag:s0] =	ssyncset.done @!p0 $0x0  }
0x91: {  	[sflag:s0] =	ssyncadd.s32 @!p0 s1  }
0x92: {  	[bflag:$0x3] =	sbarrier.arrive $0xFFFF  }
0x93: {  	_ =	shalt  }

// kernel: kernel.14.cloned.1.call-start
scs
__scs_entry_jumppad:
0x0: {  	(pc) =	sbr.rel $0x88, $3  }
0x1: {  	(tag) =	ssettag $0x0;
	lr =	simm.s32 $0x1  }
0x2: {  	[smem:$0x3F99] =	sst lr;
	_ =	strace $0xD0000000  }
0x3: {  	_ = 	snop  }
0x4: {  	_ = 	snop  }
0x5: {  	_ = 	snop  }
0x6: {  	_ = 	snop  }
0x7: {  	_ = 	snop  }
__scs_overlays_trampoline_lowered:
0x8: {  	[smem:$0x3FA8] =	sst s0  }
0x9: {  	[smem:$0x3FA9] =	sst s1  }
0xa: {  	[smem:$0x3FAA] =	sst s2  }
0xb: {  	[smem:$0x3FAB] =	sst s3  }
0xc: {  	[smem:$0x3FAC] =	sst s4  }
0xd: {  	[smem:$0x3FAD] =	sst s5  }
0xe: {  	[smem:$0x3FAE] =	sst s6  }
0xf: {  	[smem:$0x3FAF] =	sst s7  }
0x10: {  	[smem:$0x3FB0] =	sst s8  }
0x11: {  	[smem:$0x3FB1] =	sst s9;
	s0 =	simm.s32 @!p0 $0x0  }
0x12: {  	s1 =	sld [smem:$0x3F97];
	s0 =	simm.s32 @p0 $0x1  }
0x13: {  	[smem:$0x3FB2] =	sst s0;
	s0 =	simm.s32 @!p1 $0x0  }
0x14: {  	s2 =	sld [smem:$0x3F96];
	s0 =	simm.s32 @p1 $0x1  }
0x15: {  	[smem:$0x3FB3] =	sst s0;
	s0 =	simm.s32 @!p2 $0x0  }
0x16: {  	s3 =	sld [smem:$0x3FDB];
	s0 =	simm.s32 @p2 $0x1  }
0x17: {  	s4 =	simm.s32 $0x1BF5;
	[smem:$0x3FB5] =	sst s0  }
0x18: {  	s0 =	sld [smem:$0x3F98];
	_ =	swait.ge [sflag:s4], $0x0  }
0x19: {  	s7 =	sld [smem:$0x3F99]  }
0x1a: {  	s8 =	sadd.s32 $0xFFFFE003, lr  }
0x1b: {  	s9 =	sadd.s32 $0xFFFFFEF7, lr;
	s5 =	simm.s32 $0xFFFFFFFF;
	p2 =	slt.u32 s8, $0xFFFFF086  }
0x1c: {  	p1 =	slt.u32 s9, $0xF7A;
	s5 =	simm.s32 @!p2 $0x0  }
0x1d: {  	s5 =	simm.s32 @p1 $0x1;
	p0 =	seq.s32 s7, s2  }
0x1e: {  	s7 =	smul.u32 @!p0 $0xF7A, s2;
	p2 =	seq.s32 @!p0 s5, $0x0  }
0x1f: {  	s9 =	smul.u32 $0xF7A, s1;
	s8 =	simm.s32 @!p0 $0x1BF5;
	p2 =	por !p2, p0  }
0x20: {  	[sflag:s8] =	ssyncset.s32 @!p0 $0xFFFFF086;
	s6 =	sadd.s32 @!p0 s3, s7;
	s7 =	simm.s32 @!p0 $0x108  }
0x21: {  	s3 =	sadd.s32 s3, s9;
	s6 =	sadd.s32 @!p0 $0x88, s6;
	s7 =	simm.s32 @p2 $0x1082  }
0x22: {  	[simem:s7], [sflag:s8] =	dma.local @!p0 [hbm:s6], $0xF7A  }
0x23: {  	s9 =	sor.u32 $0xD0000000, s2;
	s6 =	simm.s32 $0x108;
	_ =	swait.ge @!p0 [sflag:s8], $0x0  }
0x24: {  	s3 =	sadd.s32 $0x88, s3;
	s6 =	simm.s32 @!p1 $0x1082;
	[sflag:s4] =	ssyncset.s32 $0xFFFFF086  }
0x25: {  	[simem:s6], [sflag:s4] =	dma.local [hbm:s3], $0xF7A  }
0x26: {  	[smem:$0x3F99] =	sst s1;
	(tag) =	ssettag s2;
	_ =	strace s9  }
0x27: {  	s1 =	sld [smem:$0x3FA9]  }
0x28: {  	s2 =	sld [smem:$0x3FAA]  }
0x29: {  	s4 =	sld [smem:$0x3FAC]  }
0x2a: {  	p0 =	seq.s32 s5, $0x0;
	s5 =	sld [smem:$0x3FAD]  }
0x2b: {  	s6 =	sld [smem:$0x3FAE]  }
0x2c: {  	s7 =	sld [smem:$0x3FAF]  }
0x2d: {  	s3 =	simm.s32 $0x108;
	s8 =	sld [smem:$0x3FB0]  }
0x2e: {  	s3 =	simm.s32 @!p0 $0x1082;
	s9 =	sld [smem:$0x3FB1]  }
0x2f: {  	lr =	sadd.s32 s0, s3;
	s0 =	sld [smem:$0x3FA8]  }
0x30: {  	s3 =	sld [smem:$0x3FAB]  }
0x31: {  	[smem:$0x3FB4] =	sst s10  }
0x32: {  	s10 =	sld [smem:$0x3FB2];
	_ =	sdelay $0x3  }
0x33: {  	p0 =	seq.s32 s10, $0x1;
	s10 =	sld [smem:$0x3FB4];
	_ =	sdelay $0x3  }
0x34: {  	[smem:$0x3FB4] =	sst s10  }
0x35: {  	s10 =	sld [smem:$0x3FB3];
	_ =	sdelay $0x3  }
0x36: {  	p1 =	seq.s32 s10, $0x1;
	s10 =	sld [smem:$0x3FB4];
	_ =	sdelay $0x3  }
0x37: {  	[smem:$0x3FB4] =	sst s10  }
0x38: {  	s10 =	sld [smem:$0x3FB5]  }
0x39: {  	_ = 	snop;
	(pc) =	sbr.ind lr, $3  }
0x3a: {  	_ = 	snop  }
0x3b: {  	_ = 	snop  }
0x3c: {  	p2 =	seq.s32 s10, $0x1;
	s10 =	sld [smem:$0x3FB4]  }
0x3d: {  	_ =	shalt  }
0x3e: {  	_ =	shalt  }
0x3f: {  	_ =	shalt  }
0x40: {  	_ =	shalt  }
0x41: {  	_ =	shalt  }
0x42: {  	_ =	shalt  }
0x43: {  	_ =	shalt  }
0x44: {  	_ =	shalt  }
0x45: {  	_ =	shalt  }
0x46: {  	_ =	shalt  }
0x47: {  	_ =	shalt  }
0x48: {  	_ =	shalt  }
0x49: {  	_ =	shalt  }
0x4a: {  	_ =	shalt  }
0x4b: {  	_ =	shalt  }
0x4c: {  	_ =	shalt  }
0x4d: {  	_ =	shalt  }
0x4e: {  	_ =	shalt  }
0x4f: {  	_ =	shalt  }
0x50: {  	_ =	shalt  }
0x51: {  	_ =	shalt  }
0x52: {  	_ =	shalt  }
0x53: {  	_ =	shalt  }
0x54: {  	_ =	shalt  }
0x55: {  	_ =	shalt  }
0x56: {  	_ =	shalt  }
0x57: {  	_ =	shalt  }
0x58: {  	_ =	shalt  }
0x59: {  	_ =	shalt  }
0x5a: {  	_ =	shalt  }
0x5b: {  	_ =	shalt  }
0x5c: {  	_ =	shalt  }
0x5d: {  	_ =	shalt  }
0x5e: {  	_ =	shalt  }
0x5f: {  	_ =	shalt  }
0x60: {  	_ =	shalt  }
0x61: {  	_ =	shalt  }
0x62: {  	_ =	shalt  }
0x63: {  	_ =	shalt  }
0x64: {  	_ =	shalt  }
0x65: {  	_ =	shalt  }
0x66: {  	_ =	shalt  }
0x67: {  	_ =	shalt  }
0x68: {  	_ =	shalt  }
0x69: {  	_ =	shalt  }
0x6a: {  	_ =	shalt  }
0x6b: {  	_ =	shalt  }
0x6c: {  	_ =	shalt  }
0x6d: {  	_ =	shalt  }
0x6e: {  	_ =	shalt  }
0x6f: {  	_ =	shalt  }
0x70: {  	_ =	shalt  }
0x71: {  	_ =	shalt  }
0x72: {  	_ =	shalt  }
0x73: {  	_ =	shalt  }
0x74: {  	_ =	shalt  }
0x75: {  	_ =	shalt  }
0x76: {  	_ =	shalt  }
0x77: {  	_ =	shalt  }
0x78: {  	_ =	shalt  }
0x79: {  	_ =	shalt  }
0x7a: {  	_ =	shalt  }
0x7b: {  	_ =	shalt  }
0x7c: {  	_ =	shalt  }
0x7d: {  	_ =	shalt  }
0x7e: {  	_ =	shalt  }
0x7f: {  	_ =	shalt  }
0x80: {  	_ =	shalt  }
0x81: {  	_ =	shalt  }
0x82: {  	_ =	shalt  }
0x83: {  	_ =	shalt  }
0x84: {  	_ =	shalt  }
0x85: {  	_ =	shalt  }
0x86: {  	_ =	shalt  }
0x87: {  	_ =	shalt  }
.Lfunc_end0:
.L_simem_size_0:
called_computation.2_lowered:
.L_overlay_start_0:
0x88: {  	s2 =	sld [smem:$0x3FD9]  }
0x89: {  	s3 =	sld [smem:$0x3FFE];
	_ =	sdelay $0x1  }
0x8a: {  	s1 =	srdreg.scid  }
0x8b: {  	s0 =	sand.u32 $0x1, s1  }
0x8c: {  	s17 =	sshll.u32 s0, $0xA;
	s2 =	sadd.s32 s3, s2  }
0x8d: {  	s2 =	sadd.s32 s2, s17  }
0x8e: {  	[smem:$0x3FC0] =	sst s2  }
0x8f: {  	_ = 	snop  }
0x90: {  	s2 =	sld [smem:$0x3FD0];
	(tm) =	ssettm $0x1  }
0x91: {  	s18 =	sld [smem:$0x3FFB];
	_ =	sdelay $0x3  }
0x92: {  	_ =	strace s18  }
0x93: {  	s3 =	sld [smem:$0x3FFC];
	_ =	sdelay $0x3  }
0x94: {  	_ =	strace s3  }
0x95: {  	s3 =	sld [smem:$0x3FFD];
	_ =	sdelay $0x3  }
0x96: {  	_ =	strace s3  }
0x97: {  	_ =	strace $0x8FFFFFFF  }
0x98: {  	s19 =	sld [smem:$0x3FDB];
	_ =	sdelay $0x1  }
0x99: {  	s4 =	simm.s32 $_scs_section_size  }
0x9a: {  	s5 =	simm.s32 $_size__tile_overlayer_lowered;
	s6 =	simm.s32 $_tile_overlayer_lowered  }
0x9b: {  	s22 =	simm.s32 $0x1BFF;
	s21 =	sshll.u32 s6, $0x1;
	s3 =	sadd.s32 s4, s19  }
0x9c: {  	s7 =	simm.s32 $0x0;
	s20 =	sshll.u32 s5, $0x1;
	s5 =	sadd.s32 s21, s3  }
0x9d: {  	[timem:s7], [sflag:s22] =	dma.local [hbm:s5], s20  }
0x9e: {  	_ =	swait.ge [sflag:s22], s20  }
0x9f: {  	s4 =	ssub.s32 $0x0, s20;
	[sflag:s22] =	ssyncset.done $0x0  }
0xa0: {  	[sflag:s22] =	ssyncadd.s32 s4;
	_ =	sdelay $0x1  }
0xa1: {  	s23 =	simm.s32 $0x1B8B  }
0xa2: {  	_ =	swait.ge [sflag:s23], $0x1  }
0xa3: {  	[sflag:s23] =	ssyncset.done $0x0  }
0xa4: {  	s25 =	simm.s32 $0x1B8E;
	s24 =	sld [smem:$0x3FFE];
	[sflag:s23] =	ssyncadd.s32 $0xFFFFFFFF  }
0xa5: {  	s26 =	simm.s32 $execute0_lowered;
	[smem:$0x3FD2] =	sst s25  }
0xa6: {  	s5 =	sshll.u32 s26, $0x1;
	_ =	strace $0x8000004C;
	[dreg:$0x1] =	wrdreg $0xFFFFFFFF  }
0xa7: {  	s28 =	simm.s32 $_size_execute0_lowered;
	s3 =	sadd.s32 s3, s5;
	[dreg:$0x0] =	wrdreg $0x0  }
0xa8: {  	s5 =	sshll.u32 s28, $0x1;
	[dreg:$0x2] =	wrdreg s3  }
0xa9: {  	[dreg:$0x3] =	wrdreg s5  }
0xaa: {  	[dreg:$0x4] =	wrdreg $0xC0  }
0xab: {  	_ =	task [dreg:s7], $0x5FFFF  }
0xac: {  	[dreg:$0x1] =	wrdreg $0xFFFFFFFF  }
0xad: {  	[dreg:$0x0] =	wrdreg $0x60  }
0xae: {  	[dreg:$0x2] =	wrdreg s24  }
0xaf: {  	[dreg:$0x3] =	wrdreg s2  }
0xb0: {  	[dreg:$0x4] =	wrdreg $0xA9000  }
0xb1: {  	[dreg:$0x5] =	wrdreg $0x9  }
0xb2: {  	_ =	task.clear_ibuf [dreg:s7], $0x6FFFF;
	_ =	strace $0x9000004C  }
0xb3: {  	s29 =	simm.s32 $0x9;
	_ =	strace $0x8000004E  }
0xb4: {  	_ =	swait.ge [sflag:s29], $0x1  }
0xb5: {  	[sflag:s29] =	ssyncadd.s32 $0xFFFFFFFF  }
0xb6: {  	_ =	strace $0x9000004E  }
0xb7: {  	_ =	sfence  }
0xb8: {  	s30 =	sld [smem:$0x0];
	_ =	sdelay $0x2  }
0xb9: {  	s31 =	sshll.u32 s1, $0xD;
	s1 =	sshrl.u32 s1, $0x2  }
0xba: {  	s3 =	sand.u32 $0x4000, s31;
	s1 =	sadd.s32 s1, s30  }
0xbb: {  	s0 =	sor.u32 s3, s0;
	s1 =	sshll.u32 s1, $0x11  }
0xbc: {  	s0 =	sor.u32 s1, s0  }
0xbd: {  	s0 =	sadd.s32 $0x8F2B, s0  }
0xbe: {  	[sflag:s0] =	ssyncadd.remote.s32 $0x1  }
0xbf: {  	_ =	sfence.sel $0xFFFF  }
0xc0: {  	[dreg:$0x0] =	wrdreg $0xFFFFFFFF;
	(pc) =	sbr.abs _section_cstart, $3  }
0xc1: {  	[dreg:$0x1] =	wrdreg $0xFFFFFFFF  }
0xc2: {  	_ =	task.clear_ibuf [dreg:s7], $0x2FFFF;
	_ =	strace $0x9FFFFFFF  }
0xc3: {  	(tm) =	ssettm $0x7FFFFFFF  }
tec
execute0_lowered:
.L_overlay_start_1:
0x0: {  	(tag) =	ssettag $0x1  }
0x1: {  	s6 =	rddreg [dreg:$0x0]  }
0x2: {  	s12 =	rddreg [dreg:$0x1]  }
0x3: {  	s0 =	srdreg.scid;
	s2 =	rddreg [dreg:$0x2]  }
0x4: {  	s1 =	stileid.u32;
	s3 =	simm.s32 $0x0;
	s20 =	simm.s32 $0x100  }
0x5: {  	s21 =	simm.s32 $0x80;
	s22 =	simm.s32 $0x6900;
	s7 =	smul.u32 $0x14000, s1  }
0x6: {  	s23 =	simm.s32 $0x1;
	s24 =	simm.s32 $0x2;
	s29 =	smul.u32 $0x50000, s1  }
0x7: {  	s25 =	simm.s32 $0x2800;
	s28 =	simm.s32 $0x0;
	s13 =	smul.u32 $0x500, s1  }
0x8: {  	s9 =	sand.u32 $0x1, s0;
	[smem:$0x7FF] =	sst s3;
	s19 =	smul.u32 $0x2800, s1  }
0x9: {  	s4 =	sadd.s32 $0x19FC00, s6;
	s17 =	sadd.s32 $0x5C00, s6;
	s5 =	smul.u32 $0x140000, s9  }
0xa: {  	_ =	strace $0x8000004D;
	s26 =	ssub.s32 $0x2, s9;
	s11 =	smul.u32 $0x5000, s9  }
0xb: {  	s10 =	sshll.u32 s9, $0x4;
	s16 =	smul.u32 $0x28000, s9;
	s8 =	sshrl.u32 s26, $0x1  }
0xc: {  	s10 =	sor.u32 s1, s10;
	s7 =	sadd.s32 s7, s5;
	s5 =	sadd.s32 $0x2A00, s6  }
0xd: {  	s15 =	ssub.s32 s26, s8;
	s10 =	smul.u32 $0x2800, s10;
	s13 =	sadd.s32 s13, s11  }
0xe: {  	s16 =	sadd.s32 s19, s16;
	s19 =	simm.s32 $0x3;
	s26 =	simm.s32 $0x2880  }
0xf: {  	s7 =	sshrl.u32 s7, $0x3;
	s12 =	sadd.s32 s12, s13;
	s30 =	sor.u32 $0x180, s16  }
0x10: {  	s16 =	sor.u32 $0x100, s16;
	s15 =	smax.u32 s15, $0x1;
	s14 =	sadd.s32 s7, s6  }
0x11: {  	s7 =	sshrl.u32 s29, $0x2;
	s18 =	sshrl.u32 s10, $0x3;
	s31 =	sshrl.u32 s16, $0x3  }
0x12: {  	s6 =	sadd.s32 s7, s2;
	s11 =	sadd.s32 s17, s18;
	s14 =	sadd.s32 $0x1C6E00, s14  }
0x13: {  	s18 =	sshrl.u32 s30, $0x3;
	s7 =	sadd.s32 $0x4000, s6;
	s8 =	sadd.s32 $0x8000, s6  }
0x14: {  	s9 =	sadd.s32 $0xC000, s6;
	s10 =	sadd.s32 $0x10000, s6;
	s13 =	sadd.s32 $0x10, s11  }
0x15: {  	s16 =	sadd.s32 s18, s17;
	s17 =	sadd.s32 s31, s17;
	s18 =	simm.s32 $0x2900  }
.LBB2_1:
0x16: {  	[tilespmem:s18], [sflag:$0x3] =	stream.linear.gather [hbm4b:s5+s3], $0x4000, $0x38;
	[tilespmem:$0x1E900] =	vst v63  }
0x17: {  	_ =	swait.ge [sflag:s19], $0x4000  }
0x18: {  	[sflag:s19] =	ssyncset.done $0x0  }
0x19: {  	[sflag:s19] =	ssyncadd.s32 $0xFFFFC000  }
0x1a: {  	[spmem:s6] =	stream.linear.scatter [tilespmem:s18], [sflag:$0x3], $0x4000, $0x38;
	[tilespmem:$0x1E900] =	vst v63  }
0x1b: {  	_ =	swait.ge [sflag:s19], $0x4000  }
0x1c: {  	[sflag:s19] =	ssyncset.done $0x0  }
0x1d: {  	[sflag:s19] =	ssyncadd.s32 $0xFFFFC000  }
0x1e: {  	[spmem:s7] =	stream.linear.scatter [tilespmem:s18], [sflag:$0x3], $0x4000, $0x38;
	[tilespmem:$0x1E900] =	vst v63  }
0x1f: {  	_ =	swait.ge [sflag:s19], $0x4000  }
0x20: {  	[sflag:s19] =	ssyncset.done $0x0  }
0x21: {  	[sflag:s19] =	ssyncadd.s32 $0xFFFFC000  }
0x22: {  	[spmem:s8] =	stream.linear.scatter [tilespmem:s18], [sflag:$0x3], $0x4000, $0x38;
	[tilespmem:$0x1E900] =	vst v63  }
0x23: {  	_ =	swait.ge [sflag:s19], $0x4000  }
0x24: {  	[sflag:s19] =	ssyncset.done $0x0  }
0x25: {  	[sflag:s19] =	ssyncadd.s32 $0xFFFFC000  }
0x26: {  	[spmem:s9] =	stream.linear.scatter [tilespmem:s18], [sflag:$0x3], $0x4000, $0x38;
	[tilespmem:$0x1E900] =	vst v63  }
0x27: {  	_ =	swait.ge [sflag:s19], $0x4000  }
0x28: {  	[sflag:s19] =	ssyncset.done $0x0  }
0x29: {  	[sflag:s19] =	ssyncadd.s32 $0xFFFFC000  }
0x2a: {  	[spmem:s10] =	stream.linear.scatter [tilespmem:s18], [sflag:$0x3], $0x4000, $0x38;
	[tilespmem:$0x1E900] =	vst v63  }
0x2b: {  	_ =	swait.ge [sflag:s19], $0x4000  }
0x2c: {  	[sflag:s19] =	ssyncset.done $0x0  }
0x2d: {  	[sflag:s19] =	ssyncadd.s32 $0xFFFFC000  }
0x2e: {  	[tilespmem:s20], [sflag:$0x3] =	stream.linear.gather [hbm4b:s12+s3], $0x2800, $0x38;
	[tilespmem:$0x1E900] =	vst v63  }
0x2f: {  	_ =	swait.ge [sflag:s19], $0x2800  }
0x30: {  	[sflag:s19] =	ssyncset.done $0x0  }
0x31: {  	[sflag:s19] =	ssyncadd.s32 $0xFFFFD800  }
0x32: {  	[bflag:$0x0] =	sbarrier.arrive $0xFFFF  }
0x33: {  	[tilespmem:s3], [sflag:$0x3] =	stream.linear.gather [hbm4b:s11+s3], $0x80, $0x38;
	[tilespmem:$0x1E900] =	vst v63  }
0x34: {  	_ =	swait.ge [sflag:s19], $0x80  }
0x35: {  	[sflag:s19] =	ssyncset.done $0x0  }
0x36: {  	[sflag:s19] =	ssyncadd.s32 $0xFFFFFF80  }
0x37: {  	[tilespmem:s18], [sflag:$0x1] =	stream.indirect.gather [hbm4b:s4+s21], $0x80, s3, s21, $0xb8;
	[tilespmem:$0x1E900] =	vst v63  }
0x38: {  	_ = 	snop  }
0x39: {  	[tilespmem:s21], [sflag:$0x3] =	stream.linear.gather [hbm4b:s13+s3], $0x80, $0x38;
	[tilespmem:$0x1E900] =	vst v63  }
0x3a: {  	_ =	swait.ge [sflag:s19], $0x80  }
0x3b: {  	[sflag:s19] =	ssyncset.done $0x0  }
0x3c: {  	[sflag:s19] =	ssyncadd.s32 $0xFFFFFF80  }
0x3d: {  	[tilespmem:s22], [sflag:$0x2] =	stream.indirect.gather [hbm4b:s4+s21], $0x80, s21, s21, $0xb8;
	[tilespmem:$0x1E900] =	vst v63  }
0x3e: {  	_ =	swait.ge [sflag:s23], $0x4000  }
0x3f: {  	[sflag:s23] =	ssyncset.done $0x0  }
0x40: {  	s29 =	simm.s32 $0x100;
	[sflag:s23] =	ssyncadd.s32 $0xFFFFC000  }
0x41: {  	[spmem:s2] =	stream.indirect.scatter.add.f32 [tilespmem:s18], [sflag:$0x3], $0x80, s29, s21, $0xb8;
	[tilespmem:$0x1E900] =	vst v63  }
0x42: {  	_ =	swait.ge [sflag:s19], $0x4000  }
0x43: {  	[sflag:s19] =	ssyncset.done $0x0  }
0x44: {  	s29 =	sadd.s32 $0x0, s17;
	[sflag:s19] =	ssyncadd.s32 $0xFFFFC000  }
0x45: {  	[tilespmem:s3], [sflag:$0x3] =	stream.linear.gather [hbm4b:s29+s3], $0x80, $0x38;
	[tilespmem:$0x1E900] =	vst v63  }
0x46: {  	_ =	swait.ge [sflag:s19], $0x80  }
0x47: {  	[sflag:s19] =	ssyncset.done $0x0  }
0x48: {  	[sflag:s19] =	ssyncadd.s32 $0xFFFFFF80  }
0x49: {  	[tilespmem:s18], [sflag:$0x1] =	stream.indirect.gather [hbm4b:s4+s21], $0x80, s3, s21, $0xb8;
	[tilespmem:$0x1E900] =	vst v63  }
0x4a: {  	_ =	swait.ge [sflag:s24], $0x4000  }
0x4b: {  	[sflag:s24] =	ssyncset.done $0x0  }
0x4c: {  	s29 =	simm.s32 $0x180;
	[sflag:s24] =	ssyncadd.s32 $0xFFFFC000  }
0x4d: {  	[spmem:s2] =	stream.indirect.scatter.add.f32 [tilespmem:s22], [sflag:$0x3], $0x80, s29, s21, $0xb8;
	[tilespmem:$0x1E900] =	vst v63  }
0x4e: {  	_ =	swait.ge [sflag:s19], $0x4000  }
0x4f: {  	[sflag:s19] =	ssyncset.done $0x0  }
0x50: {  	s29 =	sadd.s32 $0x0, s16;
	[sflag:s19] =	ssyncadd.s32 $0xFFFFC000  }
0x51: {  	[tilespmem:s21], [sflag:$0x3] =	stream.linear.gather [hbm4b:s29+s3], $0x80, $0x38;
	[tilespmem:$0x1E900] =	vst v63  }
0x52: {  	_ =	swait.ge [sflag:s19], $0x80  }
0x53: {  	[sflag:s19] =	ssyncset.done $0x0  }
0x54: {  	s30 =	simm.s32 $0x280;
	s29 =	simm.s32 $0x20;
	[sflag:s19] =	ssyncadd.s32 $0xFFFFFF80  }
.LBB2_2:
0x55: {  	[tilespmem:s22], [sflag:$0x2] =	stream.indirect.gather [hbm4b:s4+s21], $0x80, s21, s21, $0xb8;
	[tilespmem:$0x1E900] =	vst v63  }
0x56: {  	s31 =	smov.u32 s29  }
0x57: {  	p0 =	sne.s32 s29, $0x4C0;
	s29 =	sadd.s32 $0x20, s29;
	_ =	swait.ge [sflag:s23], $0x4000  }
0x58: {  	[sflag:s23] =	ssyncset.done $0x0  }
0x59: {  	s0 =	sadd.s32 $0xFFFFFF80, s30;
	[sflag:s23] =	ssyncadd.s32 $0xFFFFC000  }
0x5a: {  	[spmem:s2] =	stream.indirect.scatter.add.f32 [tilespmem:s18], [sflag:$0x3], $0x80, s0, s21, $0xb8;
	[tilespmem:$0x1E900] =	vst v63  }
0x5b: {  	_ =	swait.ge [sflag:s19], $0x4000  }
0x5c: {  	[sflag:s19] =	ssyncset.done $0x0  }
0x5d: {  	s0 =	sadd.s32 s31, s17;
	[sflag:s19] =	ssyncadd.s32 $0xFFFFC000  }
0x5e: {  	[tilespmem:s3], [sflag:$0x3] =	stream.linear.gather [hbm4b:s0+s3], $0x80, $0x38;
	[tilespmem:$0x1E900] =	vst v63  }
0x5f: {  	_ =	swait.ge [sflag:s19], $0x80  }
0x60: {  	[sflag:s19] =	ssyncset.done $0x0  }
0x61: {  	[sflag:s19] =	ssyncadd.s32 $0xFFFFFF80  }
0x62: {  	[tilespmem:s18], [sflag:$0x1] =	stream.indirect.gather [hbm4b:s4+s21], $0x80, s3, s21, $0xb8;
	[tilespmem:$0x1E900] =	vst v63  }
0x63: {  	_ =	swait.ge [sflag:s24], $0x4000  }
0x64: {  	[sflag:s24] =	ssyncset.done $0x0  }
0x65: {  	[sflag:s24] =	ssyncadd.s32 $0xFFFFC000  }
0x66: {  	[spmem:s2] =	stream.indirect.scatter.add.f32 [tilespmem:s22], [sflag:$0x3], $0x80, s30, s21, $0xb8;
	[tilespmem:$0x1E900] =	vst v63  }
0x67: {  	_ =	swait.ge [sflag:s19], $0x4000  }
0x68: {  	[sflag:s19] =	ssyncset.done $0x0  }
.Ltmp0:
0x69: {  	s0 =	sadd.s32 s31, s16;
	[sflag:s19] =	ssyncadd.s32 $0xFFFFC000;
	(pc) =	sbr.rel @p0 .LBB2_2-.Ltmp0, $4  }
0x6a: {  	[tilespmem:s21], [sflag:$0x3] =	stream.linear.gather [hbm4b:s0+s3], $0x80, $0x38;
	[tilespmem:$0x1E900] =	vst v63  }
0x6b: {  	_ =	swait.ge [sflag:s19], $0x80  }
0x6c: {  	[sflag:s19] =	ssyncset.done $0x0  }
0x6d: {  	s30 =	sadd.s32 $0x100, s30;
	[sflag:s19] =	ssyncadd.s32 $0xFFFFFF80  }
0x6e: {  	[tilespmem:s22], [sflag:$0x2] =	stream.indirect.gather [hbm4b:s4+s21], $0x80, s21, s21, $0xb8;
	[tilespmem:$0x1E900] =	vst v63  }
0x6f: {  	_ =	swait.ge [sflag:s23], $0x4000  }
0x70: {  	[sflag:s23] =	ssyncset.done $0x0  }
0x71: {  	[sflag:s23] =	ssyncadd.s32 $0xFFFFC000  }
0x72: {  	[spmem:s2] =	stream.indirect.scatter.add.f32 [tilespmem:s18], [sflag:$0x3], $0x80, s25, s21, $0xb8;
	[tilespmem:$0x1E900] =	vst v63  }
0x73: {  	_ =	swait.ge [sflag:s19], $0x4000  }
0x74: {  	[sflag:s19] =	ssyncset.done $0x0  }
0x75: {  	[sflag:s19] =	ssyncadd.s32 $0xFFFFC000  }
0x76: {  	_ =	swait.ge [sflag:s24], $0x4000  }
0x77: {  	[sflag:s24] =	ssyncset.done $0x0  }
0x78: {  	[sflag:s24] =	ssyncadd.s32 $0xFFFFC000  }
0x79: {  	[spmem:s2] =	stream.indirect.scatter.add.f32 [tilespmem:s22], [sflag:$0x3], $0x80, s26, s21, $0xb8;
	[tilespmem:$0x1E900] =	vst v63  }
0x7a: {  	_ =	swait.ge [sflag:s19], $0x4000  }
0x7b: {  	s0 =	sshll.u32 s1, $0x6;
	s28 =	sadd.s32 $0x1, s28;
	[sflag:s19] =	ssyncset.done $0x0  }
0x7c: {  	s29 =	sshrl.u32 s6, $0x3;
	p0 =	sne.s32 s28, s15;
	[sflag:s19] =	ssyncadd.s32 $0xFFFFC000  }
.Ltmp1:
0x7d: {  	s0 =	sor.u32 $0x1C03, s0;
	[bflag:$0x0] =	sbarrier.arrive $0xFFFF;
	(pc) =	sbr.rel @p0 .LBB2_1-.Ltmp1, $4  }
0x7e: {  	[hbm:s14], [sflag:s0] =	dma.local [spmem:s29], $0x2800  }
0x7f: {  	_ =	swait.ge [sflag:s19], $0x2800  }
0x80: {  	[sflag:s19] =	ssyncset.done $0x0  }
0x81: {  	[sflag:s19] =	ssyncadd.s32 $0xFFFFD800  }
0x82: {  	_ =	sfence.sel $0x180000  }
0x83: {  	[bflag:$0x0] =	sbarrier.arrive $0xFFFF  }
0x84: {  	_ =	strace $0x9000004D  }
0x85: {  	[bflag:$0x2] =	sbarrier.arrive $0xFFFF  }
0x86: {  	p0 =	sne.s32 s1, $0x0;
	s0 =	rddreg [dreg:$0x3]  }
0x87: {  	s0 =	sadd.s32 @!p0 $0x100000, s0  }
0x88: {  	[sflag:s0] =	ssyncadd.tile.s32 @!p0 $0x1;
	_ =	shalt  }
.Lfunc_end2:
_tile_overlayer_lowered:
.L_overlay_start_2:
0x89: {  	(tag) =	ssettag $0x2  }
0x8a: {  	s0 =	rddreg [dreg:$0x0];
	s2 =	stileid.u32  }
0x8b: {  	s1 =	rddreg [dreg:$0x1];
	p0 =	sne.s32 s2, $0x0  }
0x8c: {  	s3 =	rddreg [dreg:$0x2];
	[bflag:$0x3] =	sbarrier.arrive $0xFFFF;
	s2 =	simm.s32 @!p0 $0x1C03  }
0x8d: {  	[timem:s3], [sflag:s2] =	dma.local @!p0 [hbm:s0], s1  }
0x8e: {  	s0 =	simm.s32 @!p0 $0x3  }
0x8f: {  	_ =	swait.ge @!p0 [sflag:s0], s1  }
0x90: {  	s1 =	ssub.s32 @!p0 $0x0, s1;
	[sflag:s0] =	ssyncset.done @!p0 $0x0  }
0x91: {  	[sflag:s0] =	ssyncadd.s32 @!p0 s1  }
0x92: {  	[bflag:$0x3] =	sbarrier.arrive $0xFFFF  }
0x93: {  	_ =	shalt  }

// kernel: kernel.8.cloned.1.call-start
scs
__scs_entry_jumppad:
0x0: {  	(pc) =	sbr.rel $0x88, $3  }
0x1: {  	(tag) =	ssettag $0x0;
	lr =	simm.s32 $0x1  }
0x2: {  	[smem:$0x3F99] =	sst lr;
	_ =	strace $0xD0000000  }
0x3: {  	_ = 	snop  }
0x4: {  	_ = 	snop  }
0x5: {  	_ = 	snop  }
0x6: {  	_ = 	snop  }
0x7: {  	_ = 	snop  }
__scs_overlays_trampoline_lowered:
0x8: {  	[smem:$0x3FA8] =	sst s0  }
0x9: {  	[smem:$0x3FA9] =	sst s1  }
0xa: {  	[smem:$0x3FAA] =	sst s2  }
0xb: {  	[smem:$0x3FAB] =	sst s3  }
0xc: {  	[smem:$0x3FAC] =	sst s4  }
0xd: {  	[smem:$0x3FAD] =	sst s5  }
0xe: {  	[smem:$0x3FAE] =	sst s6  }
0xf: {  	[smem:$0x3FAF] =	sst s7  }
0x10: {  	[smem:$0x3FB0] =	sst s8  }
0x11: {  	[smem:$0x3FB1] =	sst s9;
	s0 =	simm.s32 @!p0 $0x0  }
0x12: {  	s1 =	sld [smem:$0x3F97];
	s0 =	simm.s32 @p0 $0x1  }
0x13: {  	[smem:$0x3FB2] =	sst s0;
	s0 =	simm.s32 @!p1 $0x0  }
0x14: {  	s2 =	sld [smem:$0x3F96];
	s0 =	simm.s32 @p1 $0x1  }
0x15: {  	[smem:$0x3FB3] =	sst s0;
	s0 =	simm.s32 @!p2 $0x0  }
0x16: {  	s3 =	sld [smem:$0x3FDB];
	s0 =	simm.s32 @p2 $0x1  }
0x17: {  	s4 =	simm.s32 $0x1BF5;
	[smem:$0x3FB5] =	sst s0  }
0x18: {  	s0 =	sld [smem:$0x3F98];
	_ =	swait.ge [sflag:s4], $0x0  }
0x19: {  	s7 =	sld [smem:$0x3F99]  }
0x1a: {  	s8 =	sadd.s32 $0xFFFFE003, lr  }
0x1b: {  	s9 =	sadd.s32 $0xFFFFFEF7, lr;
	s5 =	simm.s32 $0xFFFFFFFF;
	p2 =	slt.u32 s8, $0xFFFFF086  }
0x1c: {  	p1 =	slt.u32 s9, $0xF7A;
	s5 =	simm.s32 @!p2 $0x0  }
0x1d: {  	s5 =	simm.s32 @p1 $0x1;
	p0 =	seq.s32 s7, s2  }
0x1e: {  	s7 =	smul.u32 @!p0 $0xF7A, s2;
	p2 =	seq.s32 @!p0 s5, $0x0  }
0x1f: {  	s9 =	smul.u32 $0xF7A, s1;
	s8 =	simm.s32 @!p0 $0x1BF5;
	p2 =	por !p2, p0  }
0x20: {  	[sflag:s8] =	ssyncset.s32 @!p0 $0xFFFFF086;
	s6 =	sadd.s32 @!p0 s3, s7;
	s7 =	simm.s32 @!p0 $0x108  }
0x21: {  	s3 =	sadd.s32 s3, s9;
	s6 =	sadd.s32 @!p0 $0x88, s6;
	s7 =	simm.s32 @p2 $0x1082  }
0x22: {  	[simem:s7], [sflag:s8] =	dma.local @!p0 [hbm:s6], $0xF7A  }
0x23: {  	s9 =	sor.u32 $0xD0000000, s2;
	s6 =	simm.s32 $0x108;
	_ =	swait.ge @!p0 [sflag:s8], $0x0  }
0x24: {  	s3 =	sadd.s32 $0x88, s3;
	s6 =	simm.s32 @!p1 $0x1082;
	[sflag:s4] =	ssyncset.s32 $0xFFFFF086  }
0x25: {  	[simem:s6], [sflag:s4] =	dma.local [hbm:s3], $0xF7A  }
0x26: {  	[smem:$0x3F99] =	sst s1;
	(tag) =	ssettag s2;
	_ =	strace s9  }
0x27: {  	s1 =	sld [smem:$0x3FA9]  }
0x28: {  	s2 =	sld [smem:$0x3FAA]  }
0x29: {  	s4 =	sld [smem:$0x3FAC]  }
0x2a: {  	p0 =	seq.s32 s5, $0x0;
	s5 =	sld [smem:$0x3FAD]  }
0x2b: {  	s6 =	sld [smem:$0x3FAE]  }
0x2c: {  	s7 =	sld [smem:$0x3FAF]  }
0x2d: {  	s3 =	simm.s32 $0x108;
	s8 =	sld [smem:$0x3FB0]  }
0x2e: {  	s3 =	simm.s32 @!p0 $0x1082;
	s9 =	sld [smem:$0x3FB1]  }
0x2f: {  	lr =	sadd.s32 s0, s3;
	s0 =	sld [smem:$0x3FA8]  }
0x30: {  	s3 =	sld [smem:$0x3FAB]  }
0x31: {  	[smem:$0x3FB4] =	sst s10  }
0x32: {  	s10 =	sld [smem:$0x3FB2];
	_ =	sdelay $0x3  }
0x33: {  	p0 =	seq.s32 s10, $0x1;
	s10 =	sld [smem:$0x3FB4];
	_ =	sdelay $0x3  }
0x34: {  	[smem:$0x3FB4] =	sst s10  }
0x35: {  	s10 =	sld [smem:$0x3FB3];
	_ =	sdelay $0x3  }
0x36: {  	p1 =	seq.s32 s10, $0x1;
	s10 =	sld [smem:$0x3FB4];
	_ =	sdelay $0x3  }
0x37: {  	[smem:$0x3FB4] =	sst s10  }
0x38: {  	s10 =	sld [smem:$0x3FB5]  }
0x39: {  	_ = 	snop;
	(pc) =	sbr.ind lr, $3  }
0x3a: {  	_ = 	snop  }
0x3b: {  	_ = 	snop  }
0x3c: {  	p2 =	seq.s32 s10, $0x1;
	s10 =	sld [smem:$0x3FB4]  }
0x3d: {  	_ =	shalt  }
0x3e: {  	_ =	shalt  }
0x3f: {  	_ =	shalt  }
0x40: {  	_ =	shalt  }
0x41: {  	_ =	shalt  }
0x42: {  	_ =	shalt  }
0x43: {  	_ =	shalt  }
0x44: {  	_ =	shalt  }
0x45: {  	_ =	shalt  }
0x46: {  	_ =	shalt  }
0x47: {  	_ =	shalt  }
0x48: {  	_ =	shalt  }
0x49: {  	_ =	shalt  }
0x4a: {  	_ =	shalt  }
0x4b: {  	_ =	shalt  }
0x4c: {  	_ =	shalt  }
0x4d: {  	_ =	shalt  }
0x4e: {  	_ =	shalt  }
0x4f: {  	_ =	shalt  }
0x50: {  	_ =	shalt  }
0x51: {  	_ =	shalt  }
0x52: {  	_ =	shalt  }
0x53: {  	_ =	shalt  }
0x54: {  	_ =	shalt  }
0x55: {  	_ =	shalt  }
0x56: {  	_ =	shalt  }
0x57: {  	_ =	shalt  }
0x58: {  	_ =	shalt  }
0x59: {  	_ =	shalt  }
0x5a: {  	_ =	shalt  }
0x5b: {  	_ =	shalt  }
0x5c: {  	_ =	shalt  }
0x5d: {  	_ =	shalt  }
0x5e: {  	_ =	shalt  }
0x5f: {  	_ =	shalt  }
0x60: {  	_ =	shalt  }
0x61: {  	_ =	shalt  }
0x62: {  	_ =	shalt  }
0x63: {  	_ =	shalt  }
0x64: {  	_ =	shalt  }
0x65: {  	_ =	shalt  }
0x66: {  	_ =	shalt  }
0x67: {  	_ =	shalt  }
0x68: {  	_ =	shalt  }
0x69: {  	_ =	shalt  }
0x6a: {  	_ =	shalt  }
0x6b: {  	_ =	shalt  }
0x6c: {  	_ =	shalt  }
0x6d: {  	_ =	shalt  }
0x6e: {  	_ =	shalt  }
0x6f: {  	_ =	shalt  }
0x70: {  	_ =	shalt  }
0x71: {  	_ =	shalt  }
0x72: {  	_ =	shalt  }
0x73: {  	_ =	shalt  }
0x74: {  	_ =	shalt  }
0x75: {  	_ =	shalt  }
0x76: {  	_ =	shalt  }
0x77: {  	_ =	shalt  }
0x78: {  	_ =	shalt  }
0x79: {  	_ =	shalt  }
0x7a: {  	_ =	shalt  }
0x7b: {  	_ =	shalt  }
0x7c: {  	_ =	shalt  }
0x7d: {  	_ =	shalt  }
0x7e: {  	_ =	shalt  }
0x7f: {  	_ =	shalt  }
0x80: {  	_ =	shalt  }
0x81: {  	_ =	shalt  }
0x82: {  	_ =	shalt  }
0x83: {  	_ =	shalt  }
0x84: {  	_ =	shalt  }
0x85: {  	_ =	shalt  }
0x86: {  	_ =	shalt  }
0x87: {  	_ =	shalt  }
.Lfunc_end0:
.L_simem_size_0:
called_computation_lowered:
.L_overlay_start_0:
0x88: {  	s2 =	sld [smem:$0x3FD9]  }
0x89: {  	s3 =	sld [smem:$0x3FFE];
	_ =	sdelay $0x1  }
0x8a: {  	s1 =	srdreg.scid  }
0x8b: {  	s0 =	sand.u32 $0x1, s1  }
0x8c: {  	s17 =	sshll.u32 s0, $0xA;
	s2 =	sadd.s32 s3, s2  }
0x8d: {  	s2 =	sadd.s32 s2, s17  }
0x8e: {  	[smem:$0x3FC0] =	sst s2  }
0x8f: {  	_ = 	snop  }
0x90: {  	s2 =	sld [smem:$0x3FD0];
	(tm) =	ssettm $0x1  }
0x91: {  	s18 =	sld [smem:$0x3FFB];
	_ =	sdelay $0x3  }
0x92: {  	_ =	strace s18  }
0x93: {  	s3 =	sld [smem:$0x3FFC];
	_ =	sdelay $0x3  }
0x94: {  	_ =	strace s3  }
0x95: {  	s3 =	sld [smem:$0x3FFD];
	_ =	sdelay $0x3  }
0x96: {  	_ =	strace s3  }
0x97: {  	_ =	strace $0x8FFFFFFF  }
0x98: {  	s19 =	sld [smem:$0x3FDB];
	_ =	sdelay $0x1  }
0x99: {  	s4 =	simm.s32 $_scs_section_size  }
0x9a: {  	s5 =	simm.s32 $_size__tile_overlayer_lowered;
	s6 =	simm.s32 $_tile_overlayer_lowered  }
0x9b: {  	s22 =	simm.s32 $0x1BFF;
	s21 =	sshll.u32 s6, $0x1;
	s3 =	sadd.s32 s4, s19  }
0x9c: {  	s7 =	simm.s32 $0x0;
	s20 =	sshll.u32 s5, $0x1;
	s5 =	sadd.s32 s21, s3  }
0x9d: {  	[timem:s7], [sflag:s22] =	dma.local [hbm:s5], s20  }
0x9e: {  	_ =	swait.ge [sflag:s22], s20  }
0x9f: {  	s4 =	ssub.s32 $0x0, s20;
	[sflag:s22] =	ssyncset.done $0x0  }
0xa0: {  	[sflag:s22] =	ssyncadd.s32 s4;
	_ =	sdelay $0x1  }
0xa1: {  	s23 =	simm.s32 $0x1B8B  }
0xa2: {  	_ =	swait.ge [sflag:s23], $0x1  }
0xa3: {  	[sflag:s23] =	ssyncset.done $0x0  }
0xa4: {  	s25 =	simm.s32 $0x1B8E;
	s24 =	sld [smem:$0x3FFE];
	[sflag:s23] =	ssyncadd.s32 $0xFFFFFFFF  }
0xa5: {  	s26 =	simm.s32 $execute0_lowered;
	[smem:$0x3FD2] =	sst s25  }
0xa6: {  	s5 =	sshll.u32 s26, $0x1;
	_ =	strace $0x80000046;
	[dreg:$0x1] =	wrdreg $0xFFFFFFFF  }
0xa7: {  	s28 =	simm.s32 $_size_execute0_lowered;
	s3 =	sadd.s32 s3, s5;
	[dreg:$0x0] =	wrdreg $0x0  }
0xa8: {  	s5 =	sshll.u32 s28, $0x1;
	[dreg:$0x2] =	wrdreg s3  }
0xa9: {  	[dreg:$0x3] =	wrdreg s5  }
0xaa: {  	[dreg:$0x4] =	wrdreg $0xC0  }
0xab: {  	_ =	task [dreg:s7], $0x5FFFF  }
0xac: {  	[dreg:$0x1] =	wrdreg $0xFFFFFFFF  }
0xad: {  	[dreg:$0x0] =	wrdreg $0x60  }
0xae: {  	[dreg:$0x2] =	wrdreg s2  }
0xaf: {  	[dreg:$0x3] =	wrdreg s24  }
0xb0: {  	[dreg:$0x4] =	wrdreg $0x35000  }
0xb1: {  	[dreg:$0x5] =	wrdreg $0x9  }
0xb2: {  	_ =	task.clear_ibuf [dreg:s7], $0x6FFFF;
	_ =	strace $0x90000046  }
0xb3: {  	s29 =	simm.s32 $0x9;
	_ =	strace $0x80000048  }
0xb4: {  	_ =	swait.ge [sflag:s29], $0x1  }
0xb5: {  	[sflag:s29] =	ssyncadd.s32 $0xFFFFFFFF  }
0xb6: {  	_ =	strace $0x90000048  }
0xb7: {  	_ =	sfence  }
0xb8: {  	s30 =	sld [smem:$0x0];
	_ =	sdelay $0x2  }
0xb9: {  	s31 =	sshll.u32 s1, $0xD;
	s1 =	sshrl.u32 s1, $0x2  }
0xba: {  	s3 =	sand.u32 $0x4000, s31;
	s1 =	sadd.s32 s1, s30  }
0xbb: {  	s0 =	sor.u32 s3, s0;
	s1 =	sshll.u32 s1, $0x11  }
0xbc: {  	s0 =	sor.u32 s1, s0  }
0xbd: {  	s0 =	sadd.s32 $0x8F2B, s0  }
0xbe: {  	[sflag:s0] =	ssyncadd.remote.s32 $0x1  }
0xbf: {  	_ =	sfence.sel $0xFFFF  }
0xc0: {  	[dreg:$0x0] =	wrdreg $0xFFFFFFFF;
	(pc) =	sbr.abs _section_cstart, $3  }
0xc1: {  	[dreg:$0x1] =	wrdreg $0xFFFFFFFF  }
0xc2: {  	_ =	task.clear_ibuf [dreg:s7], $0x2FFFF;
	_ =	strace $0x9FFFFFFF  }
0xc3: {  	(tm) =	ssettm $0x7FFFFFFF  }
tec
execute0_lowered:
.L_overlay_start_1:
0x0: {  	(tag) =	ssettag $0x1  }
0x1: {  	s5 =	rddreg [dreg:$0x0]  }
0x2: {  	s1 =	srdreg.scid;
	s4 =	rddreg [dreg:$0x1]  }
0x3: {  	s0 =	stileid.u32;
	s2 =	rddreg [dreg:$0x2]  }
0x4: {  	s3 =	simm.s32 $0x0;
	s11 =	simm.s32 $0x2800;
	s7 =	smul.u32 $0xC80, s0  }
0x5: {  	s6 =	sand.u32 $0x1, s1;
	s1 =	rddreg [dreg:$0x3];
	s10 =	smul.u32 $0x500, s0  }
0x6: {  	[smem:$0x7FF] =	sst s3;
	s12 =	sshll.u32 s0, $0x6;
	s8 =	smul.u32 $0xC800, s6  }
0x7: {  	s9 =	smul.u32 $0x5000, s6;
	_ =	strace $0x80000047;
	s6 =	ssub.s32 $0x2, s6  }
0x8: {  	s12 =	sor.u32 $0x1C01, s12;
	s30 =	sshrl.u32 s6, $0x1;
	s8 =	sadd.s32 s7, s8  }
0x9: {  	s9 =	sadd.s32 s10, s9;
	s31 =	ssub.s32 s6, s30;
	s10 =	simm.s32 $0x80  }
0xa: {  	s8 =	sshrl.u32 s8, $0x3;
	s5 =	sadd.s32 s5, s9;
	s9 =	simm.s32 $0x1  }
0xb: {  	s8 =	sadd.s32 s8, s4;
	s4 =	sadd.s32 s7, s2;
	s7 =	smax.u32 s31, $0x1  }
0xc: {  	v0 =	vimm.f32 $1.000000000e+00;
	v1 =	vimm.f32 $0.0e+00;
	s6 =	sadd.s32 $0x2A00, s8;
	s8 =	simm.s32 $0x2880;
	s13 =	sshrl.u32 s4, $0x3  }
.LBB2_1:
0xd: {  	[tilespmem:$0x2800] =	vst v0  }
0xe: {  	[tilespmem:$0x2810] =	vst v0  }
0xf: {  	[tilespmem:$0x2820] =	vst v0  }
0x10: {  	[tilespmem:$0x2830] =	vst v0  }
0x11: {  	[tilespmem:$0x2840] =	vst v0  }
0x12: {  	[tilespmem:$0x2850] =	vst v0  }
0x13: {  	[tilespmem:$0x2860] =	vst v0  }
0x14: {  	[tilespmem:$0x2870] =	vst v0;
	s14 =	simm.s32 $0x40;
	s15 =	simm.s32 $0x0  }
.LBB2_2:
0x15: {  	p0 =	sne.s32 s14, $0x31C0;
	[tilespmem:s15+$0x2880] =	vst v1;
	s15 =	smov.u32 s14;
	s14 =	sadd.s32 $0x40, s14  }
.Ltmp0:
0x16: {  	(pc) =	sbr.rel @p0 .LBB2_2-.Ltmp0, $2  }
0x17: {  	_ =	sdelay $0x2  }
0x18: {  	s15 =	sshra.s32 s15, $0x2  }
0x19: {  	[tilespmem:s15+$0x2880] =	vst v1  }
0x1a: {  	[spmem:s4] =	stream.linear.scatter [tilespmem:s8], [sflag:$0x1], $0xC80, $0x38;
	[tilespmem:$0x4180] =	vst v63  }
0x1b: {  	_ =	swait.ge [sflag:s9], $0xC80  }
0x1c: {  	[sflag:s9] =	ssyncset.done $0x0  }
0x1d: {  	s14 =	simm.s32 $0x0;
	[sflag:s9] =	ssyncadd.s32 $0xFFFFF380  }
0x1e: {  	[tilespmem:s14], [sflag:$0x1] =	stream.linear.gather [hbm4b:s5+s14], $0x2800, $0x38;
	[tilespmem:$0x4180] =	vst v63  }
0x1f: {  	_ =	swait.ge [sflag:s9], $0x2800  }
0x20: {  	[sflag:s9] =	ssyncset.done $0x0  }
0x21: {  	[sflag:s9] =	ssyncadd.s32 $0xFFFFD800  }
0x22: {  	s31 =	simm.s32 $0x0;
	[bflag:$0x0] =	sbarrier.arrive $0xFFFF  }
0x23: {  	[spmem:s2] =	stream.indirect.scatter.add.f32 [tilespmem:s11], [sflag:$0x1], $0x1, s31, s10, $0xb8;
	[tilespmem:$0x4180] =	vst v63  }
0x24: {  	_ =	swait.ge [sflag:s9], $0x80  }
0x25: {  	s14 =	simm.s32 $0x200;
	[sflag:s9] =	ssyncset.done $0x0  }
.LBB2_4:
0x26: {  	s15 =	sshra.s32 s14, $0x2;
	[sflag:s9] =	ssyncadd.s32 $0xFFFFFF80;
	p0 =	sne.s32 s14, $0x9E00  }
0x27: {  	[spmem:s2] =	stream.indirect.scatter.add.f32 [tilespmem:s11], [sflag:$0x1], $0x1, s15, s10, $0xb8;
	[tilespmem:$0x4180] =	vst v63  }
.Ltmp1:
0x28: {  	_ = 	snop;
	(pc) =	sbr.rel @p0 .LBB2_4-.Ltmp1, $4  }
0x29: {  	_ = 	snop  }
0x2a: {  	s14 =	sadd.s32 $0x200, s14  }
0x2b: {  	_ =	swait.ge [sflag:s9], $0x80  }
0x2c: {  	[sflag:s9] =	ssyncset.done $0x0  }
0x2d: {  	s3 =	sadd.s32 $0x1, s3  }
0x2e: {  	[sflag:s9] =	ssyncadd.s32 $0xFFFFFF80;
	p0 =	sne.s32 s3, s7  }
.Ltmp2:
0x2f: {  	[bflag:$0x0] =	sbarrier.arrive $0xFFFF;
	(pc) =	sbr.rel @p0 .LBB2_1-.Ltmp2, $4  }
0x30: {  	[hbm:s6], [sflag:s12] =	dma.local [spmem:s13], $0x190  }
0x31: {  	_ =	swait.ge [sflag:s9], $0x190  }
0x32: {  	[sflag:s9] =	ssyncset.done $0x0  }
0x33: {  	[sflag:s9] =	ssyncadd.s32 $0xFFFFFE70  }
0x34: {  	_ =	sfence.sel $0x180000  }
0x35: {  	[bflag:$0x0] =	sbarrier.arrive $0xFFFF  }
0x36: {  	p0 =	sne.s32 s0, $0x0;
	_ =	strace $0x90000047  }
0x37: {  	s0 =	sadd.s32 @!p0 $0x100000, s1;
	[bflag:$0x2] =	sbarrier.arrive $0xFFFF  }
0x38: {  	[sflag:s0] =	ssyncadd.tile.s32 @!p0 $0x1;
	_ =	shalt  }
.Lfunc_end2:
_tile_overlayer_lowered:
.L_overlay_start_2:
0x39: {  	(tag) =	ssettag $0x2  }
0x3a: {  	s0 =	rddreg [dreg:$0x0];
	s2 =	stileid.u32  }
0x3b: {  	s1 =	rddreg [dreg:$0x1];
	p0 =	sne.s32 s2, $0x0  }
0x3c: {  	s3 =	rddreg [dreg:$0x2];
	[bflag:$0x3] =	sbarrier.arrive $0xFFFF;
	s2 =	simm.s32 @!p0 $0x1C01  }
0x3d: {  	[timem:s3], [sflag:s2] =	dma.local @!p0 [hbm:s0], s1  }
0x3e: {  	s0 =	simm.s32 @!p0 $0x1  }
0x3f: {  	_ =	swait.ge @!p0 [sflag:s0], s1  }
0x40: {  	s1 =	ssub.s32 @!p0 $0x0, s1;
	[sflag:s0] =	ssyncset.done @!p0 $0x0  }
0x41: {  	[sflag:s0] =	ssyncadd.s32 @!p0 s1  }
0x42: {  	[bflag:$0x3] =	sbarrier.arrive $0xFFFF  }
0x43: {  	_ =	shalt  }

</sc_bundles>
